<compile_context>
chip_gen: v7x
topology: tpu7x:2x2x1
jax: 0.10.2.dev20260603
libtpu: 0.0.44.dev20260713+nightly
codegen_flags: <defaults>
</compile_context>

<pallas_src>
import functools

import jax
import jax.numpy as jnp
from jax import lax
from jax.experimental import pallas as pl
from jax.experimental.pallas import tpu as pltpu
from jax.experimental.pallas import tpu_sc as plsc

N_NODES = 10000
N_EDGES = 320000
D = 128

NCORES = 2
NSUB = 16
NW = NCORES * NSUB

CHUNK = 128
NCHUNK = 79
EPW = NCHUNK * CHUNK
EPAD = NW * EPW

NPAD = 10240
DUMMY = N_NODES + 64
RPS = NPAD // NSUB
RCH = RPS // CHUNK


def _deg_body(dst_hbm, ones_hbm, zeros_hbm, out_hbm, idx_v, row_v, deg_sh, sem):
    c = lax.axis_index("c")
    s = lax.axis_index("s")
    wid = c * NSUB + s

    pltpu.sync_copy(zeros_hbm, row_v)
    for j in range(RCH):
        pltpu.sync_copy(row_v, deg_sh.at[pl.ds(s * RPS + j * CHUNK, CHUNK)])
    plsc.subcore_barrier()

    pltpu.sync_copy(ones_hbm, row_v)

    def body(i, carry):
        pltpu.sync_copy(dst_hbm.at[wid, i], idx_v)
        pltpu.sync_copy(row_v, deg_sh.at[idx_v], add=True)
        return carry

    lax.fori_loop(0, NCHUNK, body, 0)
    plsc.subcore_barrier()

    for j in range(RCH):
        r = s * RPS + j * CHUNK
        pltpu.sync_copy(deg_sh.at[pl.ds(r, CHUNK)], row_v)
        pltpu.sync_copy(row_v, out_hbm.at[c, pl.ds(r, CHUNK)])


def _agg_body(g_hbm, src_hbm, dst_hbm, zeros_hbm, out_hbm,
              src_v, dst_v, rows_v, acc_sh, sem):
    c = lax.axis_index("c")
    s = lax.axis_index("s")
    wid = c * NSUB + s

    pltpu.sync_copy(zeros_hbm, rows_v)
    for j in range(RCH):
        pltpu.sync_copy(rows_v, acc_sh.at[pl.ds(s * RPS + j * CHUNK, CHUNK)])
    plsc.subcore_barrier()

    def body(i, carry):
        pltpu.sync_copy(src_hbm.at[wid, i], src_v)
        pltpu.sync_copy(dst_hbm.at[wid, i], dst_v)
        pltpu.async_copy(g_hbm.at[src_v], rows_v, sem).wait()
        pltpu.sync_copy(rows_v, acc_sh.at[dst_v], add=True)
        return carry

    lax.fori_loop(0, NCHUNK, body, 0)
    plsc.subcore_barrier()

    for j in range(RCH):
        r = s * RPS + j * CHUNK
        pltpu.sync_copy(acc_sh.at[pl.ds(r, CHUNK)], rows_v)
        pltpu.sync_copy(rows_v, out_hbm.at[c, pl.ds(r, CHUNK)])


@functools.lru_cache(maxsize=None)
def _sc_kernels():
    mesh = plsc.VectorSubcoreMesh(
        core_axis_name="c", subcore_axis_name="s",
        num_cores=NCORES, num_subcores=NSUB)
    deg_sc = pl.kernel(
        _deg_body,
        mesh=mesh,
        out_type=jax.ShapeDtypeStruct((NCORES, NPAD, D), jnp.float32),
        scratch_types=[
            pltpu.VMEM((CHUNK,), jnp.int32),
            pltpu.VMEM((CHUNK, D), jnp.float32),
            pltpu.VMEM_SHARED((NPAD, D), jnp.float32),
            pltpu.SemaphoreType.DMA,
        ],
    )
    agg_sc = pl.kernel(
        _agg_body,
        mesh=mesh,
        out_type=jax.ShapeDtypeStruct((NCORES, NPAD, D), jnp.float32),
        scratch_types=[
            pltpu.VMEM((CHUNK,), jnp.int32),
            pltpu.VMEM((CHUNK,), jnp.int32),
            pltpu.VMEM((CHUNK, D), jnp.float32),
            pltpu.VMEM_SHARED((NPAD, D), jnp.float32),
            pltpu.SemaphoreType.DMA,
        ],
    )
    return deg_sc, agg_sc



def _dinv(deg2_ref):
    deg = 1.0 + deg2_ref[0, :N_NODES, 0:1] + deg2_ref[1, :N_NODES, 0:1]
    return lax.rsqrt(deg)


def _tc1_body(x_ref, w1_ref, deg2_ref, g1_ref):
    h = jnp.dot(x_ref[...], w1_ref[...], preferred_element_type=jnp.float32)
    g1_ref[...] = h * _dinv(deg2_ref)


def _tc2_body(acc_ref, g1_ref, deg2_ref, w2_ref, b1_ref, g2_ref):
    dinv = _dinv(deg2_ref)
    agg = acc_ref[0, :N_NODES, :] + acc_ref[1, :N_NODES, :] + g1_ref[...]
    z = jnp.maximum(agg * dinv + b1_ref[...], 0.0)
    g2_ref[...] = jnp.dot(z, w2_ref[...], preferred_element_type=jnp.float32) * dinv


def _tc3_body(acc_ref, g2_ref, deg2_ref, b2_ref, wl_ref, bl_ref, out_ref):
    dinv = _dinv(deg2_ref)
    agg = acc_ref[0, :N_NODES, :] + acc_ref[1, :N_NODES, :] + g2_ref[...]
    z = jnp.maximum(agg * dinv + b2_ref[...], 0.0)
    out_ref[...] = jnp.dot(z, wl_ref[...], preferred_element_type=jnp.float32) + bl_ref[...]


_tc1 = pl.pallas_call(
    _tc1_body,
    out_shape=jax.ShapeDtypeStruct((N_NODES, D), jnp.float32),
)

_tc2 = pl.pallas_call(
    _tc2_body,
    out_shape=jax.ShapeDtypeStruct((N_NODES, D), jnp.float32),
)

_tc3 = pl.pallas_call(
    _tc3_body,
    out_shape=jax.ShapeDtypeStruct((N_NODES, D), jnp.float32),
)



@jax.jit
def kernel(x, edge_index, W1, b1, W2, b2, Wl, bl):
    src = edge_index[0].astype(jnp.int32)
    dst = edge_index[1].astype(jnp.int32)
    src_p = jnp.concatenate(
        [src, jnp.zeros((EPAD - N_EDGES,), jnp.int32)]).reshape(NW, NCHUNK, CHUNK)
    dst_p = jnp.concatenate(
        [dst, jnp.full((EPAD - N_EDGES,), DUMMY, jnp.int32)]).reshape(NW, NCHUNK, CHUNK)

    onesD = jnp.ones((CHUNK, D), jnp.float32)
    zerosD = jnp.zeros((CHUNK, D), jnp.float32)

    _deg_sc, _agg_sc = _sc_kernels()
    deg2 = _deg_sc(dst_p, onesD, zerosD)[:, :, :16]

    g1 = _tc1(x, W1, deg2)
    acc1 = _agg_sc(g1, src_p, dst_p, zerosD)

    b1r = jnp.broadcast_to(b1.reshape(1, D), (1, D))
    g2 = _tc2(acc1, g1, deg2, W2, b1r)
    acc2 = _agg_sc(g2, src_p, dst_p, zerosD)

    wl_pad = jnp.zeros((D, D), jnp.float32).at[:, : Wl.shape[1]].set(Wl)
    bl_pad = jnp.zeros((1, D), jnp.float32).at[0, : bl.shape[0]].set(bl)
    b2r = jnp.broadcast_to(b2.reshape(1, D), (1, D))
    out_pad = _tc3(acc2, g2, deg2, b2r, wl_pad, bl_pad)
    return out_pad[:, : Wl.shape[1]]

# --- scband reference (transcript-rebuilt; emitter-appended) ---
"""Pipeline reference for scband-simple-gcn-16312285790333 (READ-ONLY COPY).

The authoritative reference and input builder live on the scoring server;
editing this copy changes nothing except your own understanding.
"""

import jax, jax.numpy as jnp
import numpy as np

N_NODES = 10000
N_EDGES = 320000
IN_DIM = 128
HIDDEN = 128
OUT_DIM = 2


def setup_inputs(seed: int = 0) -> dict:
    key = jax.random.key(seed)
    ks = jax.random.split(key, 8)
    x = jax.random.normal(ks[0], (N_NODES, IN_DIM), dtype=jnp.float32)
    edge_index = jax.random.randint(ks[1], (2, N_EDGES), 0, N_NODES, dtype=jnp.int64)
    # GCNConv weights (glorot-ish scale) and biases
    W1 = jax.random.normal(ks[2], (IN_DIM, HIDDEN), dtype=jnp.float32) * (1.0 / np.sqrt(IN_DIM))
    b1 = jnp.zeros((HIDDEN,), dtype=jnp.float32)
    W2 = jax.random.normal(ks[3], (HIDDEN, HIDDEN), dtype=jnp.float32) * (1.0 / np.sqrt(HIDDEN))
    b2 = jnp.zeros((HIDDEN,), dtype=jnp.float32)
    Wl = jax.random.normal(ks[4], (HIDDEN, OUT_DIM), dtype=jnp.float32) * (1.0 / np.sqrt(HIDDEN))
    bl = jnp.zeros((OUT_DIM,), dtype=jnp.float32)
    return {"x": x, "edge_index": edge_index, "W1": W1, "b1": b1, "W2": W2, "b2": b2, "Wl": Wl, "bl": bl}


def _gcn_conv(x, src, dst, norm, W, b, num_nodes):
    # x' = D^{-1/2} (A + I) D^{-1/2} X W + b  (PyG GCNConv with self-loops)
    h = x @ W
    msg = h[src] * norm[:, None]
    out = jnp.zeros((num_nodes, h.shape[1]), dtype=h.dtype).at[dst].add(msg)
    return out + b


def reference(x, edge_index, W1, b1, W2, b2, Wl, bl):
    num_nodes = x.shape[0]
    loop = jnp.arange(num_nodes, dtype=edge_index.dtype)
    src = jnp.concatenate([edge_index[0], loop])
    dst = jnp.concatenate([edge_index[1], loop])
    deg = jnp.zeros((num_nodes,), dtype=jnp.float32).at[dst].add(1.0)
    dinv = jnp.where(deg > 0, 1.0 / jnp.sqrt(deg), 0.0)
    norm = dinv[src] * dinv[dst]

    h = _gcn_conv(x, src, dst, norm, W1, b1, num_nodes)
    h = jax.nn.relu(h)
    # dropout is identity in eval mode
    h = _gcn_conv(h, src, dst, norm, W2, b2, num_nodes)
    h = jax.nn.relu(h)
    return h @ Wl + bl

if __name__ == "__main__":
    import jax
    _d = setup_inputs()
    print(jax.jit(kernel)(*tuple(_d.values())))

</pallas_src>

<mosaic_0001>
#map = affine_map<(d0, d1) -> (0, 0, 0)>
#map1 = affine_map<(d0, d1) -> (0, 0)>
module attributes {stable_mosaic.version = 14 : i64} {
  func.func @_deg_body(%arg0: i32, %arg1: i32, %arg2: memref<32x79x128xi32, #tpu.memory_space<hbm>>, %arg3: memref<128x128xf32, #tpu.memory_space<hbm>>, %arg4: memref<128x128xf32, #tpu.memory_space<hbm>>, %arg5: memref<2x10240x128xf32, #tpu.memory_space<hbm>>, %arg6: memref<128xi32, #tpu.memory_space<vmem>>, %arg7: memref<128x128xf32, #tpu.memory_space<vmem>>, %arg8: memref<10240x128xf32, #tpu.memory_space<vmem_shared>>, %arg9: memref<!tpu.dma_semaphore, #tpu.memory_space<semaphore_mem>>) attributes {dimension_semantics = [#tpu.dimension_semantics<core_parallel>, #tpu.dimension_semantics<subcore_parallel>], iteration_bounds = array<i64: 2, 16>, scalar_prefetch = 0 : i64, scratch_operands = 4 : i64, tpu.core_type = #tpu.core_type<sc_vector_subcore>, window_params = [{transform_indices = #map}, {transform_indices = #map1}, {transform_indices = #map1}, {transform_indices = #map}]} {
    %mul3A = arith.constant 16 : i32
    %mul3A_0 = arith.muli %arg0, %mul3A : i32
    %add3A = arith.addi %mul3A_0, %arg1 : i32
    "tpu.region"() ({
      %run_scoped3A = tpu.sem_alloc : memref<!tpu.dma_semaphore, #tpu.memory_space<semaphore_mem>>
      tpu.enqueue_dma source(%arg4 : memref<128x128xf32, #tpu.memory_space<hbm>>) target(%arg7 : memref<128x128xf32, #tpu.memory_space<vmem>>) target_semaphore(%run_scoped3A : memref<!tpu.dma_semaphore, #tpu.memory_space<semaphore_mem>>)
      tpu.wait_dma2 semaphore(%run_scoped3A : memref<!tpu.dma_semaphore, #tpu.memory_space<semaphore_mem>>) src(%arg4 : memref<128x128xf32, #tpu.memory_space<hbm>>) dst(%arg7 : memref<128x128xf32, #tpu.memory_space<vmem>>)
      tpu.yield
    }) : () -> ()
    %mul3A_1 = arith.constant 640 : i32
    %mul3A_2 = arith.muli %arg1, %mul3A_1 : i32
    %add3A_3 = arith.constant 0 : i32
    %add3A_4 = arith.addi %mul3A_2, %add3A_3 : i32
    "tpu.region"() ({
      %run_scoped3A = tpu.sem_alloc : memref<!tpu.dma_semaphore, #tpu.memory_space<semaphore_mem>>
      %dma_start3A = arith.constant 0 : i32
      %dma_start3A_47 = tpu.memref_slice %arg8[%add3A_4, %dma_start3A] : memref<10240x128xf32, #tpu.memory_space<vmem_shared>> -> memref<128x128xf32, #tpu.memory_space<vmem_shared>>
      %dma_start3A_48 = arith.constant 0 : i32
      %dma_start3A_49 = tpu.memref_slice %arg8[%add3A_4, %dma_start3A_48] : memref<10240x128xf32, #tpu.memory_space<vmem_shared>> -> memref<128x128xf32, #tpu.memory_space<vmem_shared>>
      tpu.enqueue_dma source(%arg7 : memref<128x128xf32, #tpu.memory_space<vmem>>) target(%dma_start3A_49 : memref<128x128xf32, #tpu.memory_space<vmem_shared>>) target_semaphore(%run_scoped3A : memref<!tpu.dma_semaphore, #tpu.memory_space<semaphore_mem>>)
      %dma_wait3A = arith.constant 0 : i32
      %dma_wait3A_50 = tpu.memref_slice %arg8[%add3A_4, %dma_wait3A] : memref<10240x128xf32, #tpu.memory_space<vmem_shared>> -> memref<128x128xf32, #tpu.memory_space<vmem_shared>>
      %dma_wait3A_51 = arith.constant 0 : i32
      %dma_wait3A_52 = tpu.memref_slice %arg8[%add3A_4, %dma_wait3A_51] : memref<10240x128xf32, #tpu.memory_space<vmem_shared>> -> memref<128x128xf32, #tpu.memory_space<vmem_shared>>
      tpu.wait_dma2 semaphore(%run_scoped3A : memref<!tpu.dma_semaphore, #tpu.memory_space<semaphore_mem>>) src(%arg7 : memref<128x128xf32, #tpu.memory_space<vmem>>) dst(%dma_wait3A_52 : memref<128x128xf32, #tpu.memory_space<vmem_shared>>)
      tpu.yield
    }) : () -> ()
    %mul3A_5 = arith.constant 640 : i32
    %mul3A_6 = arith.muli %arg1, %mul3A_5 : i32
    %add3A_7 = arith.constant 128 : i32
    %add3A_8 = arith.addi %mul3A_6, %add3A_7 : i32
    "tpu.region"() ({
      %run_scoped3A = tpu.sem_alloc : memref<!tpu.dma_semaphore, #tpu.memory_space<semaphore_mem>>
      %dma_start3A = arith.constant 0 : i32
      %dma_start3A_47 = tpu.memref_slice %arg8[%add3A_8, %dma_start3A] : memref<10240x128xf32, #tpu.memory_space<vmem_shared>> -> memref<128x128xf32, #tpu.memory_space<vmem_shared>>
      %dma_start3A_48 = arith.constant 0 : i32
      %dma_start3A_49 = tpu.memref_slice %arg8[%add3A_8, %dma_start3A_48] : memref<10240x128xf32, #tpu.memory_space<vmem_shared>> -> memref<128x128xf32, #tpu.memory_space<vmem_shared>>
      tpu.enqueue_dma source(%arg7 : memref<128x128xf32, #tpu.memory_space<vmem>>) target(%dma_start3A_49 : memref<128x128xf32, #tpu.memory_space<vmem_shared>>) target_semaphore(%run_scoped3A : memref<!tpu.dma_semaphore, #tpu.memory_space<semaphore_mem>>)
      %dma_wait3A = arith.constant 0 : i32
      %dma_wait3A_50 = tpu.memref_slice %arg8[%add3A_8, %dma_wait3A] : memref<10240x128xf32, #tpu.memory_space<vmem_shared>> -> memref<128x128xf32, #tpu.memory_space<vmem_shared>>
      %dma_wait3A_51 = arith.constant 0 : i32
      %dma_wait3A_52 = tpu.memref_slice %arg8[%add3A_8, %dma_wait3A_51] : memref<10240x128xf32, #tpu.memory_space<vmem_shared>> -> memref<128x128xf32, #tpu.memory_space<vmem_shared>>
      tpu.wait_dma2 semaphore(%run_scoped3A : memref<!tpu.dma_semaphore, #tpu.memory_space<semaphore_mem>>) src(%arg7 : memref<128x128xf32, #tpu.memory_space<vmem>>) dst(%dma_wait3A_52 : memref<128x128xf32, #tpu.memory_space<vmem_shared>>)
      tpu.yield
    }) : () -> ()
    %mul3A_9 = arith.constant 640 : i32
    %mul3A_10 = arith.muli %arg1, %mul3A_9 : i32
    %add3A_11 = arith.constant 256 : i32
    %add3A_12 = arith.addi %mul3A_10, %add3A_11 : i32
    "tpu.region"() ({
      %run_scoped3A = tpu.sem_alloc : memref<!tpu.dma_semaphore, #tpu.memory_space<semaphore_mem>>
      %dma_start3A = arith.constant 0 : i32
      %dma_start3A_47 = tpu.memref_slice %arg8[%add3A_12, %dma_start3A] : memref<10240x128xf32, #tpu.memory_space<vmem_shared>> -> memref<128x128xf32, #tpu.memory_space<vmem_shared>>
      %dma_start3A_48 = arith.constant 0 : i32
      %dma_start3A_49 = tpu.memref_slice %arg8[%add3A_12, %dma_start3A_48] : memref<10240x128xf32, #tpu.memory_space<vmem_shared>> -> memref<128x128xf32, #tpu.memory_space<vmem_shared>>
      tpu.enqueue_dma source(%arg7 : memref<128x128xf32, #tpu.memory_space<vmem>>) target(%dma_start3A_49 : memref<128x128xf32, #tpu.memory_space<vmem_shared>>) target_semaphore(%run_scoped3A : memref<!tpu.dma_semaphore, #tpu.memory_space<semaphore_mem>>)
      %dma_wait3A = arith.constant 0 : i32
      %dma_wait3A_50 = tpu.memref_slice %arg8[%add3A_12, %dma_wait3A] : memref<10240x128xf32, #tpu.memory_space<vmem_shared>> -> memref<128x128xf32, #tpu.memory_space<vmem_shared>>
      %dma_wait3A_51 = arith.constant 0 : i32
      %dma_wait3A_52 = tpu.memref_slice %arg8[%add3A_12, %dma_wait3A_51] : memref<10240x128xf32, #tpu.memory_space<vmem_shared>> -> memref<128x128xf32, #tpu.memory_space<vmem_shared>>
      tpu.wait_dma2 semaphore(%run_scoped3A : memref<!tpu.dma_semaphore, #tpu.memory_space<semaphore_mem>>) src(%arg7 : memref<128x128xf32, #tpu.memory_space<vmem>>) dst(%dma_wait3A_52 : memref<128x128xf32, #tpu.memory_space<vmem_shared>>)
      tpu.yield
    }) : () -> ()
    %mul3A_13 = arith.constant 640 : i32
    %mul3A_14 = arith.muli %arg1, %mul3A_13 : i32
    %add3A_15 = arith.constant 384 : i32
    %add3A_16 = arith.addi %mul3A_14, %add3A_15 : i32
    "tpu.region"() ({
      %run_scoped3A = tpu.sem_alloc : memref<!tpu.dma_semaphore, #tpu.memory_space<semaphore_mem>>
      %dma_start3A = arith.constant 0 : i32
      %dma_start3A_47 = tpu.memref_slice %arg8[%add3A_16, %dma_start3A] : memref<10240x128xf32, #tpu.memory_space<vmem_shared>> -> memref<128x128xf32, #tpu.memory_space<vmem_shared>>
      %dma_start3A_48 = arith.constant 0 : i32
      %dma_start3A_49 = tpu.memref_slice %arg8[%add3A_16, %dma_start3A_48] : memref<10240x128xf32, #tpu.memory_space<vmem_shared>> -> memref<128x128xf32, #tpu.memory_space<vmem_shared>>
      tpu.enqueue_dma source(%arg7 : memref<128x128xf32, #tpu.memory_space<vmem>>) target(%dma_start3A_49 : memref<128x128xf32, #tpu.memory_space<vmem_shared>>) target_semaphore(%run_scoped3A : memref<!tpu.dma_semaphore, #tpu.memory_space<semaphore_mem>>)
      %dma_wait3A = arith.constant 0 : i32
      %dma_wait3A_50 = tpu.memref_slice %arg8[%add3A_16, %dma_wait3A] : memref<10240x128xf32, #tpu.memory_space<vmem_shared>> -> memref<128x128xf32, #tpu.memory_space<vmem_shared>>
      %dma_wait3A_51 = arith.constant 0 : i32
      %dma_wait3A_52 = tpu.memref_slice %arg8[%add3A_16, %dma_wait3A_51] : memref<10240x128xf32, #tpu.memory_space<vmem_shared>> -> memref<128x128xf32, #tpu.memory_space<vmem_shared>>
      tpu.wait_dma2 semaphore(%run_scoped3A : memref<!tpu.dma_semaphore, #tpu.memory_space<semaphore_mem>>) src(%arg7 : memref<128x128xf32, #tpu.memory_space<vmem>>) dst(%dma_wait3A_52 : memref<128x128xf32, #tpu.memory_space<vmem_shared>>)
      tpu.yield
    }) : () -> ()
    %mul3A_17 = arith.constant 640 : i32
    %mul3A_18 = arith.muli %arg1, %mul3A_17 : i32
    %add3A_19 = arith.constant 512 : i32
    %add3A_20 = arith.addi %mul3A_18, %add3A_19 : i32
    "tpu.region"() ({
      %run_scoped3A = tpu.sem_alloc : memref<!tpu.dma_semaphore, #tpu.memory_space<semaphore_mem>>
      %dma_start3A = arith.constant 0 : i32
      %dma_start3A_47 = tpu.memref_slice %arg8[%add3A_20, %dma_start3A] : memref<10240x128xf32, #tpu.memory_space<vmem_shared>> -> memref<128x128xf32, #tpu.memory_space<vmem_shared>>
      %dma_start3A_48 = arith.constant 0 : i32
      %dma_start3A_49 = tpu.memref_slice %arg8[%add3A_20, %dma_start3A_48] : memref<10240x128xf32, #tpu.memory_space<vmem_shared>> -> memref<128x128xf32, #tpu.memory_space<vmem_shared>>
      tpu.enqueue_dma source(%arg7 : memref<128x128xf32, #tpu.memory_space<vmem>>) target(%dma_start3A_49 : memref<128x128xf32, #tpu.memory_space<vmem_shared>>) target_semaphore(%run_scoped3A : memref<!tpu.dma_semaphore, #tpu.memory_space<semaphore_mem>>)
      %dma_wait3A = arith.constant 0 : i32
      %dma_wait3A_50 = tpu.memref_slice %arg8[%add3A_20, %dma_wait3A] : memref<10240x128xf32, #tpu.memory_space<vmem_shared>> -> memref<128x128xf32, #tpu.memory_space<vmem_shared>>
      %dma_wait3A_51 = arith.constant 0 : i32
      %dma_wait3A_52 = tpu.memref_slice %arg8[%add3A_20, %dma_wait3A_51] : memref<10240x128xf32, #tpu.memory_space<vmem_shared>> -> memref<128x128xf32, #tpu.memory_space<vmem_shared>>
      tpu.wait_dma2 semaphore(%run_scoped3A : memref<!tpu.dma_semaphore, #tpu.memory_space<semaphore_mem>>) src(%arg7 : memref<128x128xf32, #tpu.memory_space<vmem>>) dst(%dma_wait3A_52 : memref<128x128xf32, #tpu.memory_space<vmem_shared>>)
      tpu.yield
    }) : () -> ()
    %barrier3A = arith.constant 0 : index
    tpu.barrier barrier_id(%barrier3A)
    "tpu.region"() ({
      %run_scoped3A = tpu.sem_alloc : memref<!tpu.dma_semaphore, #tpu.memory_space<semaphore_mem>>
      tpu.enqueue_dma source(%arg3 : memref<128x128xf32, #tpu.memory_space<hbm>>) target(%arg7 : memref<128x128xf32, #tpu.memory_space<vmem>>) target_semaphore(%run_scoped3A : memref<!tpu.dma_semaphore, #tpu.memory_space<semaphore_mem>>)
      tpu.wait_dma2 semaphore(%run_scoped3A : memref<!tpu.dma_semaphore, #tpu.memory_space<semaphore_mem>>) src(%arg3 : memref<128x128xf32, #tpu.memory_space<hbm>>) dst(%arg7 : memref<128x128xf32, #tpu.memory_space<vmem>>)
      tpu.yield
    }) : () -> ()
    %scan3A = arith.constant 0 : i32
    %scan3A_21 = arith.constant 0 : i32
    %scan3A_22 = arith.constant 79 : i32
    %scan3A_23 = arith.addi %scan3A_21, %scan3A_22 : i32
    %scan3A_24 = arith.constant 1 : i32
    scf.for %scan3A_47 = %scan3A_21 to %scan3A_23 step %scan3A_24  : i32 {
      "tpu.region"() ({
        %run_scoped3A = tpu.sem_alloc : memref<!tpu.dma_semaphore, #tpu.memory_space<semaphore_mem>>
        %dma_start3A = arith.constant 0 : i32
        %dma_start3A_48 = tpu.memref_slice %arg2[%add3A, %scan3A_47, %dma_start3A] : memref<32x79x128xi32, #tpu.memory_space<hbm>> -> memref<1x1x128xi32, #tpu.memory_space<hbm>>
        %dma_start3A_49 = tpu.memref_squeeze %dma_start3A_48 : memref<1x1x128xi32, #tpu.memory_space<hbm>> -> memref<128xi32, #tpu.memory_space<hbm>>
        %dma_start3A_50 = arith.constant 0 : i32
        %dma_start3A_51 = tpu.memref_slice %arg2[%add3A, %scan3A_47, %dma_start3A_50] : memref<32x79x128xi32, #tpu.memory_space<hbm>> -> memref<1x1x128xi32, #tpu.memory_space<hbm>>
        %dma_start3A_52 = tpu.memref_squeeze %dma_start3A_51 : memref<1x1x128xi32, #tpu.memory_space<hbm>> -> memref<128xi32, #tpu.memory_space<hbm>>
        tpu.enqueue_dma source(%dma_start3A_52 : memref<128xi32, #tpu.memory_space<hbm>>) target(%arg6 : memref<128xi32, #tpu.memory_space<vmem>>) target_semaphore(%run_scoped3A : memref<!tpu.dma_semaphore, #tpu.memory_space<semaphore_mem>>)
        %dma_wait3A = arith.constant 0 : i32
        %dma_wait3A_53 = tpu.memref_slice %arg2[%add3A, %scan3A_47, %dma_wait3A] : memref<32x79x128xi32, #tpu.memory_space<hbm>> -> memref<1x1x128xi32, #tpu.memory_space<hbm>>
        %dma_wait3A_54 = tpu.memref_squeeze %dma_wait3A_53 : memref<1x1x128xi32, #tpu.memory_space<hbm>> -> memref<128xi32, #tpu.memory_space<hbm>>
        %dma_wait3A_55 = arith.constant 0 : i32
        %dma_wait3A_56 = tpu.memref_slice %arg2[%add3A, %scan3A_47, %dma_wait3A_55] : memref<32x79x128xi32, #tpu.memory_space<hbm>> -> memref<1x1x128xi32, #tpu.memory_space<hbm>>
        %dma_wait3A_57 = tpu.memref_squeeze %dma_wait3A_56 : memref<1x1x128xi32, #tpu.memory_space<hbm>> -> memref<128xi32, #tpu.memory_space<hbm>>
        tpu.wait_dma2 semaphore(%run_scoped3A : memref<!tpu.dma_semaphore, #tpu.memory_space<semaphore_mem>>) src(%dma_wait3A_57 : memref<128xi32, #tpu.memory_space<hbm>>) dst(%arg6 : memref<128xi32, #tpu.memory_space<vmem>>)
        tpu.yield
      }) : () -> ()
      "tpu.region"() ({
        %run_scoped3A = tpu.sem_alloc : memref<!tpu.dma_semaphore, #tpu.memory_space<semaphore_mem>>
        %dma_start3A = arith.constant 0 : i32
        %dma_start3A_48 = arith.constant 0 : i32
        %dma_start3A_49 = tpu.memref_slice %arg8[%dma_start3A, %dma_start3A_48] : memref<10240x128xf32, #tpu.memory_space<vmem_shared>> -> memref<10240x128xf32, #tpu.memory_space<vmem_shared>>
        tpu.enqueue_indirect_dma source(%arg7 : memref<128x128xf32, #tpu.memory_space<vmem>>) target(%dma_start3A_49 : memref<10240x128xf32, #tpu.memory_space<vmem_shared>>) offsets(%arg6 : memref<128xi32, #tpu.memory_space<vmem>>) semaphore(%run_scoped3A : memref<!tpu.dma_semaphore, #tpu.memory_space<semaphore_mem>>) {add = true}
        %dma_wait3A = arith.constant 0 : i32
        %dma_wait3A_50 = arith.constant 0 : i32
        %dma_wait3A_51 = tpu.memref_slice %arg8[%dma_wait3A, %dma_wait3A_50] : memref<10240x128xf32, #tpu.memory_space<vmem_shared>> -> memref<10240x128xf32, #tpu.memory_space<vmem_shared>>
        tpu.wait_indirect_dma semaphore(%run_scoped3A : memref<!tpu.dma_semaphore, #tpu.memory_space<semaphore_mem>>) src(%arg7 : memref<128x128xf32, #tpu.memory_space<vmem>>) dst(%dma_wait3A_51 : memref<10240x128xf32, #tpu.memory_space<vmem_shared>>)
        tpu.yield
      }) : () -> ()
    }
    %scan3A_25 = arith.constant 79 : i32
    %barrier3A_26 = arith.constant 0 : index
    tpu.barrier barrier_id(%barrier3A_26)
    %mul3A_27 = arith.constant 640 : i32
    %mul3A_28 = arith.muli %arg1, %mul3A_27 : i32
    %add3A_29 = arith.constant 0 : i32
    %add3A_30 = arith.addi %mul3A_28, %add3A_29 : i32
    "tpu.region"() ({
      %run_scoped3A = tpu.sem_alloc : memref<!tpu.dma_semaphore, #tpu.memory_space<semaphore_mem>>
      %dma_start3A = arith.constant 0 : i32
      %dma_start3A_47 = tpu.memref_slice %arg8[%add3A_30, %dma_start3A] : memref<10240x128xf32, #tpu.memory_space<vmem_shared>> -> memref<128x128xf32, #tpu.memory_space<vmem_shared>>
      %dma_start3A_48 = arith.constant 0 : i32
      %dma_start3A_49 = tpu.memref_slice %arg8[%add3A_30, %dma_start3A_48] : memref<10240x128xf32, #tpu.memory_space<vmem_shared>> -> memref<128x128xf32, #tpu.memory_space<vmem_shared>>
      tpu.enqueue_dma source(%dma_start3A_49 : memref<128x128xf32, #tpu.memory_space<vmem_shared>>) target(%arg7 : memref<128x128xf32, #tpu.memory_space<vmem>>) target_semaphore(%run_scoped3A : memref<!tpu.dma_semaphore, #tpu.memory_space<semaphore_mem>>)
      %dma_wait3A = arith.constant 0 : i32
      %dma_wait3A_50 = tpu.memref_slice %arg8[%add3A_30, %dma_wait3A] : memref<10240x128xf32, #tpu.memory_space<vmem_shared>> -> memref<128x128xf32, #tpu.memory_space<vmem_shared>>
      %dma_wait3A_51 = arith.constant 0 : i32
      %dma_wait3A_52 = tpu.memref_slice %arg8[%add3A_30, %dma_wait3A_51] : memref<10240x128xf32, #tpu.memory_space<vmem_shared>> -> memref<128x128xf32, #tpu.memory_space<vmem_shared>>
      tpu.wait_dma2 semaphore(%run_scoped3A : memref<!tpu.dma_semaphore, #tpu.memory_space<semaphore_mem>>) src(%dma_wait3A_52 : memref<128x128xf32, #tpu.memory_space<vmem_shared>>) dst(%arg7 : memref<128x128xf32, #tpu.memory_space<vmem>>)
      tpu.yield
    }) : () -> ()
    "tpu.region"() ({
      %run_scoped3A = tpu.sem_alloc : memref<!tpu.dma_semaphore, #tpu.memory_space<semaphore_mem>>
      %dma_start3A = arith.constant 0 : i32
      %dma_start3A_47 = tpu.memref_slice %arg5[%arg0, %add3A_30, %dma_start3A] : memref<2x10240x128xf32, #tpu.memory_space<hbm>> -> memref<1x128x128xf32, #tpu.memory_space<hbm>>
      %dma_start3A_48 = tpu.memref_squeeze %dma_start3A_47 : memref<1x128x128xf32, #tpu.memory_space<hbm>> -> memref<128x128xf32, #tpu.memory_space<hbm>>
      %dma_start3A_49 = arith.constant 0 : i32
      %dma_start3A_50 = tpu.memref_slice %arg5[%arg0, %add3A_30, %dma_start3A_49] : memref<2x10240x128xf32, #tpu.memory_space<hbm>> -> memref<1x128x128xf32, #tpu.memory_space<hbm>>
      %dma_start3A_51 = tpu.memref_squeeze %dma_start3A_50 : memref<1x128x128xf32, #tpu.memory_space<hbm>> -> memref<128x128xf32, #tpu.memory_space<hbm>>
      tpu.enqueue_dma source(%arg7 : memref<128x128xf32, #tpu.memory_space<vmem>>) target(%dma_start3A_51 : memref<128x128xf32, #tpu.memory_space<hbm>>) target_semaphore(%run_scoped3A : memref<!tpu.dma_semaphore, #tpu.memory_space<semaphore_mem>>)
      %dma_wait3A = arith.constant 0 : i32
      %dma_wait3A_52 = tpu.memref_slice %arg5[%arg0, %add3A_30, %dma_wait3A] : memref<2x10240x128xf32, #tpu.memory_space<hbm>> -> memref<1x128x128xf32, #tpu.memory_space<hbm>>
      %dma_wait3A_53 = tpu.memref_squeeze %dma_wait3A_52 : memref<1x128x128xf32, #tpu.memory_space<hbm>> -> memref<128x128xf32, #tpu.memory_space<hbm>>
      %dma_wait3A_54 = arith.constant 0 : i32
      %dma_wait3A_55 = tpu.memref_slice %arg5[%arg0, %add3A_30, %dma_wait3A_54] : memref<2x10240x128xf32, #tpu.memory_space<hbm>> -> memref<1x128x128xf32, #tpu.memory_space<hbm>>
      %dma_wait3A_56 = tpu.memref_squeeze %dma_wait3A_55 : memref<1x128x128xf32, #tpu.memory_space<hbm>> -> memref<128x128xf32, #tpu.memory_space<hbm>>
      tpu.wait_dma2 semaphore(%run_scoped3A : memref<!tpu.dma_semaphore, #tpu.memory_space<semaphore_mem>>) src(%arg7 : memref<128x128xf32, #tpu.memory_space<vmem>>) dst(%dma_wait3A_56 : memref<128x128xf32, #tpu.memory_space<hbm>>)
      tpu.yield
    }) : () -> ()
    %mul3A_31 = arith.constant 640 : i32
    %mul3A_32 = arith.muli %arg1, %mul3A_31 : i32
    %add3A_33 = arith.constant 128 : i32
    %add3A_34 = arith.addi %mul3A_32, %add3A_33 : i32
    "tpu.region"() ({
      %run_scoped3A = tpu.sem_alloc : memref<!tpu.dma_semaphore, #tpu.memory_space<semaphore_mem>>
      %dma_start3A = arith.constant 0 : i32
      %dma_start3A_47 = tpu.memref_slice %arg8[%add3A_34, %dma_start3A] : memref<10240x128xf32, #tpu.memory_space<vmem_shared>> -> memref<128x128xf32, #tpu.memory_space<vmem_shared>>
      %dma_start3A_48 = arith.constant 0 : i32
      %dma_start3A_49 = tpu.memref_slice %arg8[%add3A_34, %dma_start3A_48] : memref<10240x128xf32, #tpu.memory_space<vmem_shared>> -> memref<128x128xf32, #tpu.memory_space<vmem_shared>>
      tpu.enqueue_dma source(%dma_start3A_49 : memref<128x128xf32, #tpu.memory_space<vmem_shared>>) target(%arg7 : memref<128x128xf32, #tpu.memory_space<vmem>>) target_semaphore(%run_scoped3A : memref<!tpu.dma_semaphore, #tpu.memory_space<semaphore_mem>>)
      %dma_wait3A = arith.constant 0 : i32
      %dma_wait3A_50 = tpu.memref_slice %arg8[%add3A_34, %dma_wait3A] : memref<10240x128xf32, #tpu.memory_space<vmem_shared>> -> memref<128x128xf32, #tpu.memory_space<vmem_shared>>
      %dma_wait3A_51 = arith.constant 0 : i32
      %dma_wait3A_52 = tpu.memref_slice %arg8[%add3A_34, %dma_wait3A_51] : memref<10240x128xf32, #tpu.memory_space<vmem_shared>> -> memref<128x128xf32, #tpu.memory_space<vmem_shared>>
      tpu.wait_dma2 semaphore(%run_scoped3A : memref<!tpu.dma_semaphore, #tpu.memory_space<semaphore_mem>>) src(%dma_wait3A_52 : memref<128x128xf32, #tpu.memory_space<vmem_shared>>) dst(%arg7 : memref<128x128xf32, #tpu.memory_space<vmem>>)
      tpu.yield
    }) : () -> ()
    "tpu.region"() ({
      %run_scoped3A = tpu.sem_alloc : memref<!tpu.dma_semaphore, #tpu.memory_space<semaphore_mem>>
      %dma_start3A = arith.constant 0 : i32
      %dma_start3A_47 = tpu.memref_slice %arg5[%arg0, %add3A_34, %dma_start3A] : memref<2x10240x128xf32, #tpu.memory_space<hbm>> -> memref<1x128x128xf32, #tpu.memory_space<hbm>>
      %dma_start3A_48 = tpu.memref_squeeze %dma_start3A_47 : memref<1x128x128xf32, #tpu.memory_space<hbm>> -> memref<128x128xf32, #tpu.memory_space<hbm>>
      %dma_start3A_49 = arith.constant 0 : i32
      %dma_start3A_50 = tpu.memref_slice %arg5[%arg0, %add3A_34, %dma_start3A_49] : memref<2x10240x128xf32, #tpu.memory_space<hbm>> -> memref<1x128x128xf32, #tpu.memory_space<hbm>>
      %dma_start3A_51 = tpu.memref_squeeze %dma_start3A_50 : memref<1x128x128xf32, #tpu.memory_space<hbm>> -> memref<128x128xf32, #tpu.memory_space<hbm>>
      tpu.enqueue_dma source(%arg7 : memref<128x128xf32, #tpu.memory_space<vmem>>) target(%dma_start3A_51 : memref<128x128xf32, #tpu.memory_space<hbm>>) target_semaphore(%run_scoped3A : memref<!tpu.dma_semaphore, #tpu.memory_space<semaphore_mem>>)
      %dma_wait3A = arith.constant 0 : i32
      %dma_wait3A_52 = tpu.memref_slice %arg5[%arg0, %add3A_34, %dma_wait3A] : memref<2x10240x128xf32, #tpu.memory_space<hbm>> -> memref<1x128x128xf32, #tpu.memory_space<hbm>>
      %dma_wait3A_53 = tpu.memref_squeeze %dma_wait3A_52 : memref<1x128x128xf32, #tpu.memory_space<hbm>> -> memref<128x128xf32, #tpu.memory_space<hbm>>
      %dma_wait3A_54 = arith.constant 0 : i32
      %dma_wait3A_55 = tpu.memref_slice %arg5[%arg0, %add3A_34, %dma_wait3A_54] : memref<2x10240x128xf32, #tpu.memory_space<hbm>> -> memref<1x128x128xf32, #tpu.memory_space<hbm>>
      %dma_wait3A_56 = tpu.memref_squeeze %dma_wait3A_55 : memref<1x128x128xf32, #tpu.memory_space<hbm>> -> memref<128x128xf32, #tpu.memory_space<hbm>>
      tpu.wait_dma2 semaphore(%run_scoped3A : memref<!tpu.dma_semaphore, #tpu.memory_space<semaphore_mem>>) src(%arg7 : memref<128x128xf32, #tpu.memory_space<vmem>>) dst(%dma_wait3A_56 : memref<128x128xf32, #tpu.memory_space<hbm>>)
      tpu.yield
    }) : () -> ()
    %mul3A_35 = arith.constant 640 : i32
    %mul3A_36 = arith.muli %arg1, %mul3A_35 : i32
    %add3A_37 = arith.constant 256 : i32
    %add3A_38 = arith.addi %mul3A_36, %add3A_37 : i32
    "tpu.region"() ({
      %run_scoped3A = tpu.sem_alloc : memref<!tpu.dma_semaphore, #tpu.memory_space<semaphore_mem>>
      %dma_start3A = arith.constant 0 : i32
      %dma_start3A_47 = tpu.memref_slice %arg8[%add3A_38, %dma_start3A] : memref<10240x128xf32, #tpu.memory_space<vmem_shared>> -> memref<128x128xf32, #tpu.memory_space<vmem_shared>>
      %dma_start3A_48 = arith.constant 0 : i32
      %dma_start3A_49 = tpu.memref_slice %arg8[%add3A_38, %dma_start3A_48] : memref<10240x128xf32, #tpu.memory_space<vmem_shared>> -> memref<128x128xf32, #tpu.memory_space<vmem_shared>>
      tpu.enqueue_dma source(%dma_start3A_49 : memref<128x128xf32, #tpu.memory_space<vmem_shared>>) target(%arg7 : memref<128x128xf32, #tpu.memory_space<vmem>>) target_semaphore(%run_scoped3A : memref<!tpu.dma_semaphore, #tpu.memory_space<semaphore_mem>>)
      %dma_wait3A = arith.constant 0 : i32
      %dma_wait3A_50 = tpu.memref_slice %arg8[%add3A_38, %dma_wait3A] : memref<10240x128xf32, #tpu.memory_space<vmem_shared>> -> memref<128x128xf32, #tpu.memory_space<vmem_shared>>
      %dma_wait3A_51 = arith.constant 0 : i32
      %dma_wait3A_52 = tpu.memref_slice %arg8[%add3A_38, %dma_wait3A_51] : memref<10240x128xf32, #tpu.memory_space<vmem_shared>> -> memref<128x128xf32, #tpu.memory_space<vmem_shared>>
      tpu.wait_dma2 semaphore(%run_scoped3A : memref<!tpu.dma_semaphore, #tpu.memory_space<semaphore_mem>>) src(%dma_wait3A_52 : memref<128x128xf32, #tpu.memory_space<vmem_shared>>) dst(%arg7 : memref<128x128xf32, #tpu.memory_space<vmem>>)
      tpu.yield
    }) : () -> ()
    "tpu.region"() ({
      %run_scoped3A = tpu.sem_alloc : memref<!tpu.dma_semaphore, #tpu.memory_space<semaphore_mem>>
      %dma_start3A = arith.constant 0 : i32
      %dma_start3A_47 = tpu.memref_slice %arg5[%arg0, %add3A_38, %dma_start3A] : memref<2x10240x128xf32, #tpu.memory_space<hbm>> -> memref<1x128x128xf32, #tpu.memory_space<hbm>>
      %dma_start3A_48 = tpu.memref_squeeze %dma_start3A_47 : memref<1x128x128xf32, #tpu.memory_space<hbm>> -> memref<128x128xf32, #tpu.memory_space<hbm>>
      %dma_start3A_49 = arith.constant 0 : i32
      %dma_start3A_50 = tpu.memref_slice %arg5[%arg0, %add3A_38, %dma_start3A_49] : memref<2x10240x128xf32, #tpu.memory_space<hbm>> -> memref<1x128x128xf32, #tpu.memory_space<hbm>>
      %dma_start3A_51 = tpu.memref_squeeze %dma_start3A_50 : memref<1x128x128xf32, #tpu.memory_space<hbm>> -> memref<128x128xf32, #tpu.memory_space<hbm>>
      tpu.enqueue_dma source(%arg7 : memref<128x128xf32, #tpu.memory_space<vmem>>) target(%dma_start3A_51 : memref<128x128xf32, #tpu.memory_space<hbm>>) target_semaphore(%run_scoped3A : memref<!tpu.dma_semaphore, #tpu.memory_space<semaphore_mem>>)
      %dma_wait3A = arith.constant 0 : i32
      %dma_wait3A_52 = tpu.memref_slice %arg5[%arg0, %add3A_38, %dma_wait3A] : memref<2x10240x128xf32, #tpu.memory_space<hbm>> -> memref<1x128x128xf32, #tpu.memory_space<hbm>>
      %dma_wait3A_53 = tpu.memref_squeeze %dma_wait3A_52 : memref<1x128x128xf32, #tpu.memory_space<hbm>> -> memref<128x128xf32, #tpu.memory_space<hbm>>
      %dma_wait3A_54 = arith.constant 0 : i32
      %dma_wait3A_55 = tpu.memref_slice %arg5[%arg0, %add3A_38, %dma_wait3A_54] : memref<2x10240x128xf32, #tpu.memory_space<hbm>> -> memref<1x128x128xf32, #tpu.memory_space<hbm>>
      %dma_wait3A_56 = tpu.memref_squeeze %dma_wait3A_55 : memref<1x128x128xf32, #tpu.memory_space<hbm>> -> memref<128x128xf32, #tpu.memory_space<hbm>>
      tpu.wait_dma2 semaphore(%run_scoped3A : memref<!tpu.dma_semaphore, #tpu.memory_space<semaphore_mem>>) src(%arg7 : memref<128x128xf32, #tpu.memory_space<vmem>>) dst(%dma_wait3A_56 : memref<128x128xf32, #tpu.memory_space<hbm>>)
      tpu.yield
    }) : () -> ()
    %mul3A_39 = arith.constant 640 : i32
    %mul3A_40 = arith.muli %arg1, %mul3A_39 : i32
    %add3A_41 = arith.constant 384 : i32
    %add3A_42 = arith.addi %mul3A_40, %add3A_41 : i32
    "tpu.region"() ({
      %run_scoped3A = tpu.sem_alloc : memref<!tpu.dma_semaphore, #tpu.memory_space<semaphore_mem>>
      %dma_start3A = arith.constant 0 : i32
      %dma_start3A_47 = tpu.memref_slice %arg8[%add3A_42, %dma_start3A] : memref<10240x128xf32, #tpu.memory_space<vmem_shared>> -> memref<128x128xf32, #tpu.memory_space<vmem_shared>>
      %dma_start3A_48 = arith.constant 0 : i32
      %dma_start3A_49 = tpu.memref_slice %arg8[%add3A_42, %dma_start3A_48] : memref<10240x128xf32, #tpu.memory_space<vmem_shared>> -> memref<128x128xf32, #tpu.memory_space<vmem_shared>>
      tpu.enqueue_dma source(%dma_start3A_49 : memref<128x128xf32, #tpu.memory_space<vmem_shared>>) target(%arg7 : memref<128x128xf32, #tpu.memory_space<vmem>>) target_semaphore(%run_scoped3A : memref<!tpu.dma_semaphore, #tpu.memory_space<semaphore_mem>>)
      %dma_wait3A = arith.constant 0 : i32
      %dma_wait3A_50 = tpu.memref_slice %arg8[%add3A_42, %dma_wait3A] : memref<10240x128xf32, #tpu.memory_space<vmem_shared>> -> memref<128x128xf32, #tpu.memory_space<vmem_shared>>
      %dma_wait3A_51 = arith.constant 0 : i32
      %dma_wait3A_52 = tpu.memref_slice %arg8[%add3A_42, %dma_wait3A_51] : memref<10240x128xf32, #tpu.memory_space<vmem_shared>> -> memref<128x128xf32, #tpu.memory_space<vmem_shared>>
      tpu.wait_dma2 semaphore(%run_scoped3A : memref<!tpu.dma_semaphore, #tpu.memory_space<semaphore_mem>>) src(%dma_wait3A_52 : memref<128x128xf32, #tpu.memory_space<vmem_shared>>) dst(%arg7 : memref<128x128xf32, #tpu.memory_space<vmem>>)
      tpu.yield
    }) : () -> ()
    "tpu.region"() ({
      %run_scoped3A = tpu.sem_alloc : memref<!tpu.dma_semaphore, #tpu.memory_space<semaphore_mem>>
      %dma_start3A = arith.constant 0 : i32
      %dma_start3A_47 = tpu.memref_slice %arg5[%arg0, %add3A_42, %dma_start3A] : memref<2x10240x128xf32, #tpu.memory_space<hbm>> -> memref<1x128x128xf32, #tpu.memory_space<hbm>>
      %dma_start3A_48 = tpu.memref_squeeze %dma_start3A_47 : memref<1x128x128xf32, #tpu.memory_space<hbm>> -> memref<128x128xf32, #tpu.memory_space<hbm>>
      %dma_start3A_49 = arith.constant 0 : i32
      %dma_start3A_50 = tpu.memref_slice %arg5[%arg0, %add3A_42, %dma_start3A_49] : memref<2x10240x128xf32, #tpu.memory_space<hbm>> -> memref<1x128x128xf32, #tpu.memory_space<hbm>>
      %dma_start3A_51 = tpu.memref_squeeze %dma_start3A_50 : memref<1x128x128xf32, #tpu.memory_space<hbm>> -> memref<128x128xf32, #tpu.memory_space<hbm>>
      tpu.enqueue_dma source(%arg7 : memref<128x128xf32, #tpu.memory_space<vmem>>) target(%dma_start3A_51 : memref<128x128xf32, #tpu.memory_space<hbm>>) target_semaphore(%run_scoped3A : memref<!tpu.dma_semaphore, #tpu.memory_space<semaphore_mem>>)
      %dma_wait3A = arith.constant 0 : i32
      %dma_wait3A_52 = tpu.memref_slice %arg5[%arg0, %add3A_42, %dma_wait3A] : memref<2x10240x128xf32, #tpu.memory_space<hbm>> -> memref<1x128x128xf32, #tpu.memory_space<hbm>>
      %dma_wait3A_53 = tpu.memref_squeeze %dma_wait3A_52 : memref<1x128x128xf32, #tpu.memory_space<hbm>> -> memref<128x128xf32, #tpu.memory_space<hbm>>
      %dma_wait3A_54 = arith.constant 0 : i32
      %dma_wait3A_55 = tpu.memref_slice %arg5[%arg0, %add3A_42, %dma_wait3A_54] : memref<2x10240x128xf32, #tpu.memory_space<hbm>> -> memref<1x128x128xf32, #tpu.memory_space<hbm>>
      %dma_wait3A_56 = tpu.memref_squeeze %dma_wait3A_55 : memref<1x128x128xf32, #tpu.memory_space<hbm>> -> memref<128x128xf32, #tpu.memory_space<hbm>>
      tpu.wait_dma2 semaphore(%run_scoped3A : memref<!tpu.dma_semaphore, #tpu.memory_space<semaphore_mem>>) src(%arg7 : memref<128x128xf32, #tpu.memory_space<vmem>>) dst(%dma_wait3A_56 : memref<128x128xf32, #tpu.memory_space<hbm>>)
      tpu.yield
    }) : () -> ()
    %mul3A_43 = arith.constant 640 : i32
    %mul3A_44 = arith.muli %arg1, %mul3A_43 : i32
    %add3A_45 = arith.constant 512 : i32
    %add3A_46 = arith.addi %mul3A_44, %add3A_45 : i32
    "tpu.region"() ({
      %run_scoped3A = tpu.sem_alloc : memref<!tpu.dma_semaphore, #tpu.memory_space<semaphore_mem>>
      %dma_start3A = arith.constant 0 : i32
      %dma_start3A_47 = tpu.memref_slice %arg8[%add3A_46, %dma_start3A] : memref<10240x128xf32, #tpu.memory_space<vmem_shared>> -> memref<128x128xf32, #tpu.memory_space<vmem_shared>>
      %dma_start3A_48 = arith.constant 0 : i32
      %dma_start3A_49 = tpu.memref_slice %arg8[%add3A_46, %dma_start3A_48] : memref<10240x128xf32, #tpu.memory_space<vmem_shared>> -> memref<128x128xf32, #tpu.memory_space<vmem_shared>>
      tpu.enqueue_dma source(%dma_start3A_49 : memref<128x128xf32, #tpu.memory_space<vmem_shared>>) target(%arg7 : memref<128x128xf32, #tpu.memory_space<vmem>>) target_semaphore(%run_scoped3A : memref<!tpu.dma_semaphore, #tpu.memory_space<semaphore_mem>>)
      %dma_wait3A = arith.constant 0 : i32
      %dma_wait3A_50 = tpu.memref_slice %arg8[%add3A_46, %dma_wait3A] : memref<10240x128xf32, #tpu.memory_space<vmem_shared>> -> memref<128x128xf32, #tpu.memory_space<vmem_shared>>
      %dma_wait3A_51 = arith.constant 0 : i32
      %dma_wait3A_52 = tpu.memref_slice %arg8[%add3A_46, %dma_wait3A_51] : memref<10240x128xf32, #tpu.memory_space<vmem_shared>> -> memref<128x128xf32, #tpu.memory_space<vmem_shared>>
      tpu.wait_dma2 semaphore(%run_scoped3A : memref<!tpu.dma_semaphore, #tpu.memory_space<semaphore_mem>>) src(%dma_wait3A_52 : memref<128x128xf32, #tpu.memory_space<vmem_shared>>) dst(%arg7 : memref<128x128xf32, #tpu.memory_space<vmem>>)
      tpu.yield
    }) : () -> ()
    "tpu.region"() ({
      %run_scoped3A = tpu.sem_alloc : memref<!tpu.dma_semaphore, #tpu.memory_space<semaphore_mem>>
      %dma_start3A = arith.constant 0 : i32
      %dma_start3A_47 = tpu.memref_slice %arg5[%arg0, %add3A_46, %dma_start3A] : memref<2x10240x128xf32, #tpu.memory_space<hbm>> -> memref<1x128x128xf32, #tpu.memory_space<hbm>>
      %dma_start3A_48 = tpu.memref_squeeze %dma_start3A_47 : memref<1x128x128xf32, #tpu.memory_space<hbm>> -> memref<128x128xf32, #tpu.memory_space<hbm>>
      %dma_start3A_49 = arith.constant 0 : i32
      %dma_start3A_50 = tpu.memref_slice %arg5[%arg0, %add3A_46, %dma_start3A_49] : memref<2x10240x128xf32, #tpu.memory_space<hbm>> -> memref<1x128x128xf32, #tpu.memory_space<hbm>>
      %dma_start3A_51 = tpu.memref_squeeze %dma_start3A_50 : memref<1x128x128xf32, #tpu.memory_space<hbm>> -> memref<128x128xf32, #tpu.memory_space<hbm>>
      tpu.enqueue_dma source(%arg7 : memref<128x128xf32, #tpu.memory_space<vmem>>) target(%dma_start3A_51 : memref<128x128xf32, #tpu.memory_space<hbm>>) target_semaphore(%run_scoped3A : memref<!tpu.dma_semaphore, #tpu.memory_space<semaphore_mem>>)
      %dma_wait3A = arith.constant 0 : i32
      %dma_wait3A_52 = tpu.memref_slice %arg5[%arg0, %add3A_46, %dma_wait3A] : memref<2x10240x128xf32, #tpu.memory_space<hbm>> -> memref<1x128x128xf32, #tpu.memory_space<hbm>>
      %dma_wait3A_53 = tpu.memref_squeeze %dma_wait3A_52 : memref<1x128x128xf32, #tpu.memory_space<hbm>> -> memref<128x128xf32, #tpu.memory_space<hbm>>
      %dma_wait3A_54 = arith.constant 0 : i32
      %dma_wait3A_55 = tpu.memref_slice %arg5[%arg0, %add3A_46, %dma_wait3A_54] : memref<2x10240x128xf32, #tpu.memory_space<hbm>> -> memref<1x128x128xf32, #tpu.memory_space<hbm>>
      %dma_wait3A_56 = tpu.memref_squeeze %dma_wait3A_55 : memref<1x128x128xf32, #tpu.memory_space<hbm>> -> memref<128x128xf32, #tpu.memory_space<hbm>>
      tpu.wait_dma2 semaphore(%run_scoped3A : memref<!tpu.dma_semaphore, #tpu.memory_space<semaphore_mem>>) src(%arg7 : memref<128x128xf32, #tpu.memory_space<vmem>>) dst(%dma_wait3A_56 : memref<128x128xf32, #tpu.memory_space<hbm>>)
      tpu.yield
    }) : () -> ()
    return
  }
}

#map = affine_map<(d0, d1) -> (0, 0)>
#map1 = affine_map<(d0, d1) -> (0, 0, 0)>
module attributes {stable_mosaic.version = 14 : i64} {
  func.func @_agg_body(%arg0: i32, %arg1: i32, %arg2: memref<10000x128xf32, #tpu.memory_space<hbm>>, %arg3: memref<32x79x128xi32, #tpu.memory_space<hbm>>, %arg4: memref<32x79x128xi32, #tpu.memory_space<hbm>>, %arg5: memref<128x128xf32, #tpu.memory_space<hbm>>, %arg6: memref<2x10240x128xf32, #tpu.memory_space<hbm>>, %arg7: memref<128xi32, #tpu.memory_space<vmem>>, %arg8: memref<128xi32, #tpu.memory_space<vmem>>, %arg9: memref<128x128xf32, #tpu.memory_space<vmem>>, %arg10: memref<10240x128xf32, #tpu.memory_space<vmem_shared>>, %arg11: memref<!tpu.dma_semaphore, #tpu.memory_space<semaphore_mem>>) attributes {dimension_semantics = [#tpu.dimension_semantics<core_parallel>, #tpu.dimension_semantics<subcore_parallel>], iteration_bounds = array<i64: 2, 16>, scalar_prefetch = 0 : i64, scratch_operands = 5 : i64, tpu.core_type = #tpu.core_type<sc_vector_subcore>, window_params = [{transform_indices = #map}, {transform_indices = #map1}, {transform_indices = #map1}, {transform_indices = #map}, {transform_indices = #map1}]} {
    %mul3A = arith.constant 16 : i32
    %mul3A_0 = arith.muli %arg0, %mul3A : i32
    %add3A = arith.addi %mul3A_0, %arg1 : i32
    "tpu.region"() ({
      %run_scoped3A = tpu.sem_alloc : memref<!tpu.dma_semaphore, #tpu.memory_space<semaphore_mem>>
      tpu.enqueue_dma source(%arg5 : memref<128x128xf32, #tpu.memory_space<hbm>>) target(%arg9 : memref<128x128xf32, #tpu.memory_space<vmem>>) target_semaphore(%run_scoped3A : memref<!tpu.dma_semaphore, #tpu.memory_space<semaphore_mem>>)
      tpu.wait_dma2 semaphore(%run_scoped3A : memref<!tpu.dma_semaphore, #tpu.memory_space<semaphore_mem>>) src(%arg5 : memref<128x128xf32, #tpu.memory_space<hbm>>) dst(%arg9 : memref<128x128xf32, #tpu.memory_space<vmem>>)
      tpu.yield
    }) : () -> ()
    %mul3A_1 = arith.constant 640 : i32
    %mul3A_2 = arith.muli %arg1, %mul3A_1 : i32
    %add3A_3 = arith.constant 0 : i32
    %add3A_4 = arith.addi %mul3A_2, %add3A_3 : i32
    "tpu.region"() ({
      %run_scoped3A = tpu.sem_alloc : memref<!tpu.dma_semaphore, #tpu.memory_space<semaphore_mem>>
      %dma_start3A = arith.constant 0 : i32
      %dma_start3A_47 = tpu.memref_slice %arg10[%add3A_4, %dma_start3A] : memref<10240x128xf32, #tpu.memory_space<vmem_shared>> -> memref<128x128xf32, #tpu.memory_space<vmem_shared>>
      %dma_start3A_48 = arith.constant 0 : i32
      %dma_start3A_49 = tpu.memref_slice %arg10[%add3A_4, %dma_start3A_48] : memref<10240x128xf32, #tpu.memory_space<vmem_shared>> -> memref<128x128xf32, #tpu.memory_space<vmem_shared>>
      tpu.enqueue_dma source(%arg9 : memref<128x128xf32, #tpu.memory_space<vmem>>) target(%dma_start3A_49 : memref<128x128xf32, #tpu.memory_space<vmem_shared>>) target_semaphore(%run_scoped3A : memref<!tpu.dma_semaphore, #tpu.memory_space<semaphore_mem>>)
      %dma_wait3A = arith.constant 0 : i32
      %dma_wait3A_50 = tpu.memref_slice %arg10[%add3A_4, %dma_wait3A] : memref<10240x128xf32, #tpu.memory_space<vmem_shared>> -> memref<128x128xf32, #tpu.memory_space<vmem_shared>>
      %dma_wait3A_51 = arith.constant 0 : i32
      %dma_wait3A_52 = tpu.memref_slice %arg10[%add3A_4, %dma_wait3A_51] : memref<10240x128xf32, #tpu.memory_space<vmem_shared>> -> memref<128x128xf32, #tpu.memory_space<vmem_shared>>
      tpu.wait_dma2 semaphore(%run_scoped3A : memref<!tpu.dma_semaphore, #tpu.memory_space<semaphore_mem>>) src(%arg9 : memref<128x128xf32, #tpu.memory_space<vmem>>) dst(%dma_wait3A_52 : memref<128x128xf32, #tpu.memory_space<vmem_shared>>)
      tpu.yield
    }) : () -> ()
    %mul3A_5 = arith.constant 640 : i32
    %mul3A_6 = arith.muli %arg1, %mul3A_5 : i32
    %add3A_7 = arith.constant 128 : i32
    %add3A_8 = arith.addi %mul3A_6, %add3A_7 : i32
    "tpu.region"() ({
      %run_scoped3A = tpu.sem_alloc : memref<!tpu.dma_semaphore, #tpu.memory_space<semaphore_mem>>
      %dma_start3A = arith.constant 0 : i32
      %dma_start3A_47 = tpu.memref_slice %arg10[%add3A_8, %dma_start3A] : memref<10240x128xf32, #tpu.memory_space<vmem_shared>> -> memref<128x128xf32, #tpu.memory_space<vmem_shared>>
      %dma_start3A_48 = arith.constant 0 : i32
      %dma_start3A_49 = tpu.memref_slice %arg10[%add3A_8, %dma_start3A_48] : memref<10240x128xf32, #tpu.memory_space<vmem_shared>> -> memref<128x128xf32, #tpu.memory_space<vmem_shared>>
      tpu.enqueue_dma source(%arg9 : memref<128x128xf32, #tpu.memory_space<vmem>>) target(%dma_start3A_49 : memref<128x128xf32, #tpu.memory_space<vmem_shared>>) target_semaphore(%run_scoped3A : memref<!tpu.dma_semaphore, #tpu.memory_space<semaphore_mem>>)
      %dma_wait3A = arith.constant 0 : i32
      %dma_wait3A_50 = tpu.memref_slice %arg10[%add3A_8, %dma_wait3A] : memref<10240x128xf32, #tpu.memory_space<vmem_shared>> -> memref<128x128xf32, #tpu.memory_space<vmem_shared>>
      %dma_wait3A_51 = arith.constant 0 : i32
      %dma_wait3A_52 = tpu.memref_slice %arg10[%add3A_8, %dma_wait3A_51] : memref<10240x128xf32, #tpu.memory_space<vmem_shared>> -> memref<128x128xf32, #tpu.memory_space<vmem_shared>>
      tpu.wait_dma2 semaphore(%run_scoped3A : memref<!tpu.dma_semaphore, #tpu.memory_space<semaphore_mem>>) src(%arg9 : memref<128x128xf32, #tpu.memory_space<vmem>>) dst(%dma_wait3A_52 : memref<128x128xf32, #tpu.memory_space<vmem_shared>>)
      tpu.yield
    }) : () -> ()
    %mul3A_9 = arith.constant 640 : i32
    %mul3A_10 = arith.muli %arg1, %mul3A_9 : i32
    %add3A_11 = arith.constant 256 : i32
    %add3A_12 = arith.addi %mul3A_10, %add3A_11 : i32
    "tpu.region"() ({
      %run_scoped3A = tpu.sem_alloc : memref<!tpu.dma_semaphore, #tpu.memory_space<semaphore_mem>>
      %dma_start3A = arith.constant 0 : i32
      %dma_start3A_47 = tpu.memref_slice %arg10[%add3A_12, %dma_start3A] : memref<10240x128xf32, #tpu.memory_space<vmem_shared>> -> memref<128x128xf32, #tpu.memory_space<vmem_shared>>
      %dma_start3A_48 = arith.constant 0 : i32
      %dma_start3A_49 = tpu.memref_slice %arg10[%add3A_12, %dma_start3A_48] : memref<10240x128xf32, #tpu.memory_space<vmem_shared>> -> memref<128x128xf32, #tpu.memory_space<vmem_shared>>
      tpu.enqueue_dma source(%arg9 : memref<128x128xf32, #tpu.memory_space<vmem>>) target(%dma_start3A_49 : memref<128x128xf32, #tpu.memory_space<vmem_shared>>) target_semaphore(%run_scoped3A : memref<!tpu.dma_semaphore, #tpu.memory_space<semaphore_mem>>)
      %dma_wait3A = arith.constant 0 : i32
      %dma_wait3A_50 = tpu.memref_slice %arg10[%add3A_12, %dma_wait3A] : memref<10240x128xf32, #tpu.memory_space<vmem_shared>> -> memref<128x128xf32, #tpu.memory_space<vmem_shared>>
      %dma_wait3A_51 = arith.constant 0 : i32
      %dma_wait3A_52 = tpu.memref_slice %arg10[%add3A_12, %dma_wait3A_51] : memref<10240x128xf32, #tpu.memory_space<vmem_shared>> -> memref<128x128xf32, #tpu.memory_space<vmem_shared>>
      tpu.wait_dma2 semaphore(%run_scoped3A : memref<!tpu.dma_semaphore, #tpu.memory_space<semaphore_mem>>) src(%arg9 : memref<128x128xf32, #tpu.memory_space<vmem>>) dst(%dma_wait3A_52 : memref<128x128xf32, #tpu.memory_space<vmem_shared>>)
      tpu.yield
    }) : () -> ()
    %mul3A_13 = arith.constant 640 : i32
    %mul3A_14 = arith.muli %arg1, %mul3A_13 : i32
    %add3A_15 = arith.constant 384 : i32
    %add3A_16 = arith.addi %mul3A_14, %add3A_15 : i32
    "tpu.region"() ({
      %run_scoped3A = tpu.sem_alloc : memref<!tpu.dma_semaphore, #tpu.memory_space<semaphore_mem>>
      %dma_start3A = arith.constant 0 : i32
      %dma_start3A_47 = tpu.memref_slice %arg10[%add3A_16, %dma_start3A] : memref<10240x128xf32, #tpu.memory_space<vmem_shared>> -> memref<128x128xf32, #tpu.memory_space<vmem_shared>>
      %dma_start3A_48 = arith.constant 0 : i32
      %dma_start3A_49 = tpu.memref_slice %arg10[%add3A_16, %dma_start3A_48] : memref<10240x128xf32, #tpu.memory_space<vmem_shared>> -> memref<128x128xf32, #tpu.memory_space<vmem_shared>>
      tpu.enqueue_dma source(%arg9 : memref<128x128xf32, #tpu.memory_space<vmem>>) target(%dma_start3A_49 : memref<128x128xf32, #tpu.memory_space<vmem_shared>>) target_semaphore(%run_scoped3A : memref<!tpu.dma_semaphore, #tpu.memory_space<semaphore_mem>>)
      %dma_wait3A = arith.constant 0 : i32
      %dma_wait3A_50 = tpu.memref_slice %arg10[%add3A_16, %dma_wait3A] : memref<10240x128xf32, #tpu.memory_space<vmem_shared>> -> memref<128x128xf32, #tpu.memory_space<vmem_shared>>
      %dma_wait3A_51 = arith.constant 0 : i32
      %dma_wait3A_52 = tpu.memref_slice %arg10[%add3A_16, %dma_wait3A_51] : memref<10240x128xf32, #tpu.memory_space<vmem_shared>> -> memref<128x128xf32, #tpu.memory_space<vmem_shared>>
      tpu.wait_dma2 semaphore(%run_scoped3A : memref<!tpu.dma_semaphore, #tpu.memory_space<semaphore_mem>>) src(%arg9 : memref<128x128xf32, #tpu.memory_space<vmem>>) dst(%dma_wait3A_52 : memref<128x128xf32, #tpu.memory_space<vmem_shared>>)
      tpu.yield
    }) : () -> ()
    %mul3A_17 = arith.constant 640 : i32
    %mul3A_18 = arith.muli %arg1, %mul3A_17 : i32
    %add3A_19 = arith.constant 512 : i32
    %add3A_20 = arith.addi %mul3A_18, %add3A_19 : i32
    "tpu.region"() ({
      %run_scoped3A = tpu.sem_alloc : memref<!tpu.dma_semaphore, #tpu.memory_space<semaphore_mem>>
      %dma_start3A = arith.constant 0 : i32
      %dma_start3A_47 = tpu.memref_slice %arg10[%add3A_20, %dma_start3A] : memref<10240x128xf32, #tpu.memory_space<vmem_shared>> -> memref<128x128xf32, #tpu.memory_space<vmem_shared>>
      %dma_start3A_48 = arith.constant 0 : i32
      %dma_start3A_49 = tpu.memref_slice %arg10[%add3A_20, %dma_start3A_48] : memref<10240x128xf32, #tpu.memory_space<vmem_shared>> -> memref<128x128xf32, #tpu.memory_space<vmem_shared>>
      tpu.enqueue_dma source(%arg9 : memref<128x128xf32, #tpu.memory_space<vmem>>) target(%dma_start3A_49 : memref<128x128xf32, #tpu.memory_space<vmem_shared>>) target_semaphore(%run_scoped3A : memref<!tpu.dma_semaphore, #tpu.memory_space<semaphore_mem>>)
      %dma_wait3A = arith.constant 0 : i32
      %dma_wait3A_50 = tpu.memref_slice %arg10[%add3A_20, %dma_wait3A] : memref<10240x128xf32, #tpu.memory_space<vmem_shared>> -> memref<128x128xf32, #tpu.memory_space<vmem_shared>>
      %dma_wait3A_51 = arith.constant 0 : i32
      %dma_wait3A_52 = tpu.memref_slice %arg10[%add3A_20, %dma_wait3A_51] : memref<10240x128xf32, #tpu.memory_space<vmem_shared>> -> memref<128x128xf32, #tpu.memory_space<vmem_shared>>
      tpu.wait_dma2 semaphore(%run_scoped3A : memref<!tpu.dma_semaphore, #tpu.memory_space<semaphore_mem>>) src(%arg9 : memref<128x128xf32, #tpu.memory_space<vmem>>) dst(%dma_wait3A_52 : memref<128x128xf32, #tpu.memory_space<vmem_shared>>)
      tpu.yield
    }) : () -> ()
    %barrier3A = arith.constant 0 : index
    tpu.barrier barrier_id(%barrier3A)
    %scan3A = arith.constant 0 : i32
    %scan3A_21 = arith.constant 0 : i32
    %scan3A_22 = arith.constant 79 : i32
    %scan3A_23 = arith.addi %scan3A_21, %scan3A_22 : i32
    %scan3A_24 = arith.constant 1 : i32
    scf.for %scan3A_47 = %scan3A_21 to %scan3A_23 step %scan3A_24  : i32 {
      "tpu.region"() ({
        %run_scoped3A = tpu.sem_alloc : memref<!tpu.dma_semaphore, #tpu.memory_space<semaphore_mem>>
        %dma_start3A_52 = arith.constant 0 : i32
        %dma_start3A_53 = tpu.memref_slice %arg3[%add3A, %scan3A_47, %dma_start3A_52] : memref<32x79x128xi32, #tpu.memory_space<hbm>> -> memref<1x1x128xi32, #tpu.memory_space<hbm>>
        %dma_start3A_54 = tpu.memref_squeeze %dma_start3A_53 : memref<1x1x128xi32, #tpu.memory_space<hbm>> -> memref<128xi32, #tpu.memory_space<hbm>>
        %dma_start3A_55 = arith.constant 0 : i32
        %dma_start3A_56 = tpu.memref_slice %arg3[%add3A, %scan3A_47, %dma_start3A_55] : memref<32x79x128xi32, #tpu.memory_space<hbm>> -> memref<1x1x128xi32, #tpu.memory_space<hbm>>
        %dma_start3A_57 = tpu.memref_squeeze %dma_start3A_56 : memref<1x1x128xi32, #tpu.memory_space<hbm>> -> memref<128xi32, #tpu.memory_space<hbm>>
        tpu.enqueue_dma source(%dma_start3A_57 : memref<128xi32, #tpu.memory_space<hbm>>) target(%arg7 : memref<128xi32, #tpu.memory_space<vmem>>) target_semaphore(%run_scoped3A : memref<!tpu.dma_semaphore, #tpu.memory_space<semaphore_mem>>)
        %dma_wait3A_58 = arith.constant 0 : i32
        %dma_wait3A_59 = tpu.memref_slice %arg3[%add3A, %scan3A_47, %dma_wait3A_58] : memref<32x79x128xi32, #tpu.memory_space<hbm>> -> memref<1x1x128xi32, #tpu.memory_space<hbm>>
        %dma_wait3A_60 = tpu.memref_squeeze %dma_wait3A_59 : memref<1x1x128xi32, #tpu.memory_space<hbm>> -> memref<128xi32, #tpu.memory_space<hbm>>
        %dma_wait3A_61 = arith.constant 0 : i32
        %dma_wait3A_62 = tpu.memref_slice %arg3[%add3A, %scan3A_47, %dma_wait3A_61] : memref<32x79x128xi32, #tpu.memory_space<hbm>> -> memref<1x1x128xi32, #tpu.memory_space<hbm>>
        %dma_wait3A_63 = tpu.memref_squeeze %dma_wait3A_62 : memref<1x1x128xi32, #tpu.memory_space<hbm>> -> memref<128xi32, #tpu.memory_space<hbm>>
        tpu.wait_dma2 semaphore(%run_scoped3A : memref<!tpu.dma_semaphore, #tpu.memory_space<semaphore_mem>>) src(%dma_wait3A_63 : memref<128xi32, #tpu.memory_space<hbm>>) dst(%arg7 : memref<128xi32, #tpu.memory_space<vmem>>)
        tpu.yield
      }) : () -> ()
      "tpu.region"() ({
        %run_scoped3A = tpu.sem_alloc : memref<!tpu.dma_semaphore, #tpu.memory_space<semaphore_mem>>
        %dma_start3A_52 = arith.constant 0 : i32
        %dma_start3A_53 = tpu.memref_slice %arg4[%add3A, %scan3A_47, %dma_start3A_52] : memref<32x79x128xi32, #tpu.memory_space<hbm>> -> memref<1x1x128xi32, #tpu.memory_space<hbm>>
        %dma_start3A_54 = tpu.memref_squeeze %dma_start3A_53 : memref<1x1x128xi32, #tpu.memory_space<hbm>> -> memref<128xi32, #tpu.memory_space<hbm>>
        %dma_start3A_55 = arith.constant 0 : i32
        %dma_start3A_56 = tpu.memref_slice %arg4[%add3A, %scan3A_47, %dma_start3A_55] : memref<32x79x128xi32, #tpu.memory_space<hbm>> -> memref<1x1x128xi32, #tpu.memory_space<hbm>>
        %dma_start3A_57 = tpu.memref_squeeze %dma_start3A_56 : memref<1x1x128xi32, #tpu.memory_space<hbm>> -> memref<128xi32, #tpu.memory_space<hbm>>
        tpu.enqueue_dma source(%dma_start3A_57 : memref<128xi32, #tpu.memory_space<hbm>>) target(%arg8 : memref<128xi32, #tpu.memory_space<vmem>>) target_semaphore(%run_scoped3A : memref<!tpu.dma_semaphore, #tpu.memory_space<semaphore_mem>>)
        %dma_wait3A_58 = arith.constant 0 : i32
        %dma_wait3A_59 = tpu.memref_slice %arg4[%add3A, %scan3A_47, %dma_wait3A_58] : memref<32x79x128xi32, #tpu.memory_space<hbm>> -> memref<1x1x128xi32, #tpu.memory_space<hbm>>
        %dma_wait3A_60 = tpu.memref_squeeze %dma_wait3A_59 : memref<1x1x128xi32, #tpu.memory_space<hbm>> -> memref<128xi32, #tpu.memory_space<hbm>>
        %dma_wait3A_61 = arith.constant 0 : i32
        %dma_wait3A_62 = tpu.memref_slice %arg4[%add3A, %scan3A_47, %dma_wait3A_61] : memref<32x79x128xi32, #tpu.memory_space<hbm>> -> memref<1x1x128xi32, #tpu.memory_space<hbm>>
        %dma_wait3A_63 = tpu.memref_squeeze %dma_wait3A_62 : memref<1x1x128xi32, #tpu.memory_space<hbm>> -> memref<128xi32, #tpu.memory_space<hbm>>
        tpu.wait_dma2 semaphore(%run_scoped3A : memref<!tpu.dma_semaphore, #tpu.memory_space<semaphore_mem>>) src(%dma_wait3A_63 : memref<128xi32, #tpu.memory_space<hbm>>) dst(%arg8 : memref<128xi32, #tpu.memory_space<vmem>>)
        tpu.yield
      }) : () -> ()
      %dma_start3A = arith.constant 0 : i32
      %dma_start3A_48 = arith.constant 0 : i32
      %dma_start3A_49 = tpu.memref_slice %arg2[%dma_start3A, %dma_start3A_48] : memref<10000x128xf32, #tpu.memory_space<hbm>> -> memref<10000x128xf32, #tpu.memory_space<hbm>>
      tpu.enqueue_indirect_dma source(%dma_start3A_49 : memref<10000x128xf32, #tpu.memory_space<hbm>>) target(%arg9 : memref<128x128xf32, #tpu.memory_space<vmem>>) offsets(%arg7 : memref<128xi32, #tpu.memory_space<vmem>>) semaphore(%arg11 : memref<!tpu.dma_semaphore, #tpu.memory_space<semaphore_mem>>)
      %dma_wait3A = arith.constant 0 : i32
      %dma_wait3A_50 = arith.constant 0 : i32
      %dma_wait3A_51 = tpu.memref_slice %arg2[%dma_wait3A, %dma_wait3A_50] : memref<10000x128xf32, #tpu.memory_space<hbm>> -> memref<10000x128xf32, #tpu.memory_space<hbm>>
      tpu.wait_indirect_dma semaphore(%arg11 : memref<!tpu.dma_semaphore, #tpu.memory_space<semaphore_mem>>) src(%dma_wait3A_51 : memref<10000x128xf32, #tpu.memory_space<hbm>>) dst(%arg9 : memref<128x128xf32, #tpu.memory_space<vmem>>)
      "tpu.region"() ({
        %run_scoped3A = tpu.sem_alloc : memref<!tpu.dma_semaphore, #tpu.memory_space<semaphore_mem>>
        %dma_start3A_52 = arith.constant 0 : i32
        %dma_start3A_53 = arith.constant 0 : i32
        %dma_start3A_54 = tpu.memref_slice %arg10[%dma_start3A_52, %dma_start3A_53] : memref<10240x128xf32, #tpu.memory_space<vmem_shared>> -> memref<10240x128xf32, #tpu.memory_space<vmem_shared>>
        tpu.enqueue_indirect_dma source(%arg9 : memref<128x128xf32, #tpu.memory_space<vmem>>) target(%dma_start3A_54 : memref<10240x128xf32, #tpu.memory_space<vmem_shared>>) offsets(%arg8 : memref<128xi32, #tpu.memory_space<vmem>>) semaphore(%run_scoped3A : memref<!tpu.dma_semaphore, #tpu.memory_space<semaphore_mem>>) {add = true}
        %dma_wait3A_55 = arith.constant 0 : i32
        %dma_wait3A_56 = arith.constant 0 : i32
        %dma_wait3A_57 = tpu.memref_slice %arg10[%dma_wait3A_55, %dma_wait3A_56] : memref<10240x128xf32, #tpu.memory_space<vmem_shared>> -> memref<10240x128xf32, #tpu.memory_space<vmem_shared>>
        tpu.wait_indirect_dma semaphore(%run_scoped3A : memref<!tpu.dma_semaphore, #tpu.memory_space<semaphore_mem>>) src(%arg9 : memref<128x128xf32, #tpu.memory_space<vmem>>) dst(%dma_wait3A_57 : memref<10240x128xf32, #tpu.memory_space<vmem_shared>>)
        tpu.yield
      }) : () -> ()
    }
    %scan3A_25 = arith.constant 79 : i32
    %barrier3A_26 = arith.constant 0 : index
    tpu.barrier barrier_id(%barrier3A_26)
    %mul3A_27 = arith.constant 640 : i32
    %mul3A_28 = arith.muli %arg1, %mul3A_27 : i32
    %add3A_29 = arith.constant 0 : i32
    %add3A_30 = arith.addi %mul3A_28, %add3A_29 : i32
    "tpu.region"() ({
      %run_scoped3A = tpu.sem_alloc : memref<!tpu.dma_semaphore, #tpu.memory_space<semaphore_mem>>
      %dma_start3A = arith.constant 0 : i32
      %dma_start3A_47 = tpu.memref_slice %arg10[%add3A_30, %dma_start3A] : memref<10240x128xf32, #tpu.memory_space<vmem_shared>> -> memref<128x128xf32, #tpu.memory_space<vmem_shared>>
      %dma_start3A_48 = arith.constant 0 : i32
      %dma_start3A_49 = tpu.memref_slice %arg10[%add3A_30, %dma_start3A_48] : memref<10240x128xf32, #tpu.memory_space<vmem_shared>> -> memref<128x128xf32, #tpu.memory_space<vmem_shared>>
      tpu.enqueue_dma source(%dma_start3A_49 : memref<128x128xf32, #tpu.memory_space<vmem_shared>>) target(%arg9 : memref<128x128xf32, #tpu.memory_space<vmem>>) target_semaphore(%run_scoped3A : memref<!tpu.dma_semaphore, #tpu.memory_space<semaphore_mem>>)
      %dma_wait3A = arith.constant 0 : i32
      %dma_wait3A_50 = tpu.memref_slice %arg10[%add3A_30, %dma_wait3A] : memref<10240x128xf32, #tpu.memory_space<vmem_shared>> -> memref<128x128xf32, #tpu.memory_space<vmem_shared>>
      %dma_wait3A_51 = arith.constant 0 : i32
      %dma_wait3A_52 = tpu.memref_slice %arg10[%add3A_30, %dma_wait3A_51] : memref<10240x128xf32, #tpu.memory_space<vmem_shared>> -> memref<128x128xf32, #tpu.memory_space<vmem_shared>>
      tpu.wait_dma2 semaphore(%run_scoped3A : memref<!tpu.dma_semaphore, #tpu.memory_space<semaphore_mem>>) src(%dma_wait3A_52 : memref<128x128xf32, #tpu.memory_space<vmem_shared>>) dst(%arg9 : memref<128x128xf32, #tpu.memory_space<vmem>>)
      tpu.yield
    }) : () -> ()
    "tpu.region"() ({
      %run_scoped3A = tpu.sem_alloc : memref<!tpu.dma_semaphore, #tpu.memory_space<semaphore_mem>>
      %dma_start3A = arith.constant 0 : i32
      %dma_start3A_47 = tpu.memref_slice %arg6[%arg0, %add3A_30, %dma_start3A] : memref<2x10240x128xf32, #tpu.memory_space<hbm>> -> memref<1x128x128xf32, #tpu.memory_space<hbm>>
      %dma_start3A_48 = tpu.memref_squeeze %dma_start3A_47 : memref<1x128x128xf32, #tpu.memory_space<hbm>> -> memref<128x128xf32, #tpu.memory_space<hbm>>
      %dma_start3A_49 = arith.constant 0 : i32
      %dma_start3A_50 = tpu.memref_slice %arg6[%arg0, %add3A_30, %dma_start3A_49] : memref<2x10240x128xf32, #tpu.memory_space<hbm>> -> memref<1x128x128xf32, #tpu.memory_space<hbm>>
      %dma_start3A_51 = tpu.memref_squeeze %dma_start3A_50 : memref<1x128x128xf32, #tpu.memory_space<hbm>> -> memref<128x128xf32, #tpu.memory_space<hbm>>
      tpu.enqueue_dma source(%arg9 : memref<128x128xf32, #tpu.memory_space<vmem>>) target(%dma_start3A_51 : memref<128x128xf32, #tpu.memory_space<hbm>>) target_semaphore(%run_scoped3A : memref<!tpu.dma_semaphore, #tpu.memory_space<semaphore_mem>>)
      %dma_wait3A = arith.constant 0 : i32
      %dma_wait3A_52 = tpu.memref_slice %arg6[%arg0, %add3A_30, %dma_wait3A] : memref<2x10240x128xf32, #tpu.memory_space<hbm>> -> memref<1x128x128xf32, #tpu.memory_space<hbm>>
      %dma_wait3A_53 = tpu.memref_squeeze %dma_wait3A_52 : memref<1x128x128xf32, #tpu.memory_space<hbm>> -> memref<128x128xf32, #tpu.memory_space<hbm>>
      %dma_wait3A_54 = arith.constant 0 : i32
      %dma_wait3A_55 = tpu.memref_slice %arg6[%arg0, %add3A_30, %dma_wait3A_54] : memref<2x10240x128xf32, #tpu.memory_space<hbm>> -> memref<1x128x128xf32, #tpu.memory_space<hbm>>
      %dma_wait3A_56 = tpu.memref_squeeze %dma_wait3A_55 : memref<1x128x128xf32, #tpu.memory_space<hbm>> -> memref<128x128xf32, #tpu.memory_space<hbm>>
      tpu.wait_dma2 semaphore(%run_scoped3A : memref<!tpu.dma_semaphore, #tpu.memory_space<semaphore_mem>>) src(%arg9 : memref<128x128xf32, #tpu.memory_space<vmem>>) dst(%dma_wait3A_56 : memref<128x128xf32, #tpu.memory_space<hbm>>)
      tpu.yield
    }) : () -> ()
    %mul3A_31 = arith.constant 640 : i32
    %mul3A_32 = arith.muli %arg1, %mul3A_31 : i32
    %add3A_33 = arith.constant 128 : i32
    %add3A_34 = arith.addi %mul3A_32, %add3A_33 : i32
    "tpu.region"() ({
      %run_scoped3A = tpu.sem_alloc : memref<!tpu.dma_semaphore, #tpu.memory_space<semaphore_mem>>
      %dma_start3A = arith.constant 0 : i32
      %dma_start3A_47 = tpu.memref_slice %arg10[%add3A_34, %dma_start3A] : memref<10240x128xf32, #tpu.memory_space<vmem_shared>> -> memref<128x128xf32, #tpu.memory_space<vmem_shared>>
      %dma_start3A_48 = arith.constant 0 : i32
      %dma_start3A_49 = tpu.memref_slice %arg10[%add3A_34, %dma_start3A_48] : memref<10240x128xf32, #tpu.memory_space<vmem_shared>> -> memref<128x128xf32, #tpu.memory_space<vmem_shared>>
      tpu.enqueue_dma source(%dma_start3A_49 : memref<128x128xf32, #tpu.memory_space<vmem_shared>>) target(%arg9 : memref<128x128xf32, #tpu.memory_space<vmem>>) target_semaphore(%run_scoped3A : memref<!tpu.dma_semaphore, #tpu.memory_space<semaphore_mem>>)
      %dma_wait3A = arith.constant 0 : i32
      %dma_wait3A_50 = tpu.memref_slice %arg10[%add3A_34, %dma_wait3A] : memref<10240x128xf32, #tpu.memory_space<vmem_shared>> -> memref<128x128xf32, #tpu.memory_space<vmem_shared>>
      %dma_wait3A_51 = arith.constant 0 : i32
      %dma_wait3A_52 = tpu.memref_slice %arg10[%add3A_34, %dma_wait3A_51] : memref<10240x128xf32, #tpu.memory_space<vmem_shared>> -> memref<128x128xf32, #tpu.memory_space<vmem_shared>>
      tpu.wait_dma2 semaphore(%run_scoped3A : memref<!tpu.dma_semaphore, #tpu.memory_space<semaphore_mem>>) src(%dma_wait3A_52 : memref<128x128xf32, #tpu.memory_space<vmem_shared>>) dst(%arg9 : memref<128x128xf32, #tpu.memory_space<vmem>>)
      tpu.yield
    }) : () -> ()
    "tpu.region"() ({
      %run_scoped3A = tpu.sem_alloc : memref<!tpu.dma_semaphore, #tpu.memory_space<semaphore_mem>>
      %dma_start3A = arith.constant 0 : i32
      %dma_start3A_47 = tpu.memref_slice %arg6[%arg0, %add3A_34, %dma_start3A] : memref<2x10240x128xf32, #tpu.memory_space<hbm>> -> memref<1x128x128xf32, #tpu.memory_space<hbm>>
      %dma_start3A_48 = tpu.memref_squeeze %dma_start3A_47 : memref<1x128x128xf32, #tpu.memory_space<hbm>> -> memref<128x128xf32, #tpu.memory_space<hbm>>
      %dma_start3A_49 = arith.constant 0 : i32
      %dma_start3A_50 = tpu.memref_slice %arg6[%arg0, %add3A_34, %dma_start3A_49] : memref<2x10240x128xf32, #tpu.memory_space<hbm>> -> memref<1x128x128xf32, #tpu.memory_space<hbm>>
      %dma_start3A_51 = tpu.memref_squeeze %dma_start3A_50 : memref<1x128x128xf32, #tpu.memory_space<hbm>> -> memref<128x128xf32, #tpu.memory_space<hbm>>
      tpu.enqueue_dma source(%arg9 : memref<128x128xf32, #tpu.memory_space<vmem>>) target(%dma_start3A_51 : memref<128x128xf32, #tpu.memory_space<hbm>>) target_semaphore(%run_scoped3A : memref<!tpu.dma_semaphore, #tpu.memory_space<semaphore_mem>>)
      %dma_wait3A = arith.constant 0 : i32
      %dma_wait3A_52 = tpu.memref_slice %arg6[%arg0, %add3A_34, %dma_wait3A] : memref<2x10240x128xf32, #tpu.memory_space<hbm>> -> memref<1x128x128xf32, #tpu.memory_space<hbm>>
      %dma_wait3A_53 = tpu.memref_squeeze %dma_wait3A_52 : memref<1x128x128xf32, #tpu.memory_space<hbm>> -> memref<128x128xf32, #tpu.memory_space<hbm>>
      %dma_wait3A_54 = arith.constant 0 : i32
      %dma_wait3A_55 = tpu.memref_slice %arg6[%arg0, %add3A_34, %dma_wait3A_54] : memref<2x10240x128xf32, #tpu.memory_space<hbm>> -> memref<1x128x128xf32, #tpu.memory_space<hbm>>
      %dma_wait3A_56 = tpu.memref_squeeze %dma_wait3A_55 : memref<1x128x128xf32, #tpu.memory_space<hbm>> -> memref<128x128xf32, #tpu.memory_space<hbm>>
      tpu.wait_dma2 semaphore(%run_scoped3A : memref<!tpu.dma_semaphore, #tpu.memory_space<semaphore_mem>>) src(%arg9 : memref<128x128xf32, #tpu.memory_space<vmem>>) dst(%dma_wait3A_56 : memref<128x128xf32, #tpu.memory_space<hbm>>)
      tpu.yield
    }) : () -> ()
    %mul3A_35 = arith.constant 640 : i32
    %mul3A_36 = arith.muli %arg1, %mul3A_35 : i32
    %add3A_37 = arith.constant 256 : i32
    %add3A_38 = arith.addi %mul3A_36, %add3A_37 : i32
    "tpu.region"() ({
      %run_scoped3A = tpu.sem_alloc : memref<!tpu.dma_semaphore, #tpu.memory_space<semaphore_mem>>
      %dma_start3A = arith.constant 0 : i32
      %dma_start3A_47 = tpu.memref_slice %arg10[%add3A_38, %dma_start3A] : memref<10240x128xf32, #tpu.memory_space<vmem_shared>> -> memref<128x128xf32, #tpu.memory_space<vmem_shared>>
      %dma_start3A_48 = arith.constant 0 : i32
      %dma_start3A_49 = tpu.memref_slice %arg10[%add3A_38, %dma_start3A_48] : memref<10240x128xf32, #tpu.memory_space<vmem_shared>> -> memref<128x128xf32, #tpu.memory_space<vmem_shared>>
      tpu.enqueue_dma source(%dma_start3A_49 : memref<128x128xf32, #tpu.memory_space<vmem_shared>>) target(%arg9 : memref<128x128xf32, #tpu.memory_space<vmem>>) target_semaphore(%run_scoped3A : memref<!tpu.dma_semaphore, #tpu.memory_space<semaphore_mem>>)
      %dma_wait3A = arith.constant 0 : i32
      %dma_wait3A_50 = tpu.memref_slice %arg10[%add3A_38, %dma_wait3A] : memref<10240x128xf32, #tpu.memory_space<vmem_shared>> -> memref<128x128xf32, #tpu.memory_space<vmem_shared>>
      %dma_wait3A_51 = arith.constant 0 : i32
      %dma_wait3A_52 = tpu.memref_slice %arg10[%add3A_38, %dma_wait3A_51] : memref<10240x128xf32, #tpu.memory_space<vmem_shared>> -> memref<128x128xf32, #tpu.memory_space<vmem_shared>>
      tpu.wait_dma2 semaphore(%run_scoped3A : memref<!tpu.dma_semaphore, #tpu.memory_space<semaphore_mem>>) src(%dma_wait3A_52 : memref<128x128xf32, #tpu.memory_space<vmem_shared>>) dst(%arg9 : memref<128x128xf32, #tpu.memory_space<vmem>>)
      tpu.yield
    }) : () -> ()
    "tpu.region"() ({
      %run_scoped3A = tpu.sem_alloc : memref<!tpu.dma_semaphore, #tpu.memory_space<semaphore_mem>>
      %dma_start3A = arith.constant 0 : i32
      %dma_start3A_47 = tpu.memref_slice %arg6[%arg0, %add3A_38, %dma_start3A] : memref<2x10240x128xf32, #tpu.memory_space<hbm>> -> memref<1x128x128xf32, #tpu.memory_space<hbm>>
      %dma_start3A_48 = tpu.memref_squeeze %dma_start3A_47 : memref<1x128x128xf32, #tpu.memory_space<hbm>> -> memref<128x128xf32, #tpu.memory_space<hbm>>
      %dma_start3A_49 = arith.constant 0 : i32
      %dma_start3A_50 = tpu.memref_slice %arg6[%arg0, %add3A_38, %dma_start3A_49] : memref<2x10240x128xf32, #tpu.memory_space<hbm>> -> memref<1x128x128xf32, #tpu.memory_space<hbm>>
      %dma_start3A_51 = tpu.memref_squeeze %dma_start3A_50 : memref<1x128x128xf32, #tpu.memory_space<hbm>> -> memref<128x128xf32, #tpu.memory_space<hbm>>
      tpu.enqueue_dma source(%arg9 : memref<128x128xf32, #tpu.memory_space<vmem>>) target(%dma_start3A_51 : memref<128x128xf32, #tpu.memory_space<hbm>>) target_semaphore(%run_scoped3A : memref<!tpu.dma_semaphore, #tpu.memory_space<semaphore_mem>>)
      %dma_wait3A = arith.constant 0 : i32
      %dma_wait3A_52 = tpu.memref_slice %arg6[%arg0, %add3A_38, %dma_wait3A] : memref<2x10240x128xf32, #tpu.memory_space<hbm>> -> memref<1x128x128xf32, #tpu.memory_space<hbm>>
      %dma_wait3A_53 = tpu.memref_squeeze %dma_wait3A_52 : memref<1x128x128xf32, #tpu.memory_space<hbm>> -> memref<128x128xf32, #tpu.memory_space<hbm>>
      %dma_wait3A_54 = arith.constant 0 : i32
      %dma_wait3A_55 = tpu.memref_slice %arg6[%arg0, %add3A_38, %dma_wait3A_54] : memref<2x10240x128xf32, #tpu.memory_space<hbm>> -> memref<1x128x128xf32, #tpu.memory_space<hbm>>
      %dma_wait3A_56 = tpu.memref_squeeze %dma_wait3A_55 : memref<1x128x128xf32, #tpu.memory_space<hbm>> -> memref<128x128xf32, #tpu.memory_space<hbm>>
      tpu.wait_dma2 semaphore(%run_scoped3A : memref<!tpu.dma_semaphore, #tpu.memory_space<semaphore_mem>>) src(%arg9 : memref<128x128xf32, #tpu.memory_space<vmem>>) dst(%dma_wait3A_56 : memref<128x128xf32, #tpu.memory_space<hbm>>)
      tpu.yield
    }) : () -> ()
    %mul3A_39 = arith.constant 640 : i32
    %mul3A_40 = arith.muli %arg1, %mul3A_39 : i32
    %add3A_41 = arith.constant 384 : i32
    %add3A_42 = arith.addi %mul3A_40, %add3A_41 : i32
    "tpu.region"() ({
      %run_scoped3A = tpu.sem_alloc : memref<!tpu.dma_semaphore, #tpu.memory_space<semaphore_mem>>
      %dma_start3A = arith.constant 0 : i32
      %dma_start3A_47 = tpu.memref_slice %arg10[%add3A_42, %dma_start3A] : memref<10240x128xf32, #tpu.memory_space<vmem_shared>> -> memref<128x128xf32, #tpu.memory_space<vmem_shared>>
      %dma_start3A_48 = arith.constant 0 : i32
      %dma_start3A_49 = tpu.memref_slice %arg10[%add3A_42, %dma_start3A_48] : memref<10240x128xf32, #tpu.memory_space<vmem_shared>> -> memref<128x128xf32, #tpu.memory_space<vmem_shared>>
      tpu.enqueue_dma source(%dma_start3A_49 : memref<128x128xf32, #tpu.memory_space<vmem_shared>>) target(%arg9 : memref<128x128xf32, #tpu.memory_space<vmem>>) target_semaphore(%run_scoped3A : memref<!tpu.dma_semaphore, #tpu.memory_space<semaphore_mem>>)
      %dma_wait3A = arith.constant 0 : i32
      %dma_wait3A_50 = tpu.memref_slice %arg10[%add3A_42, %dma_wait3A] : memref<10240x128xf32, #tpu.memory_space<vmem_shared>> -> memref<128x128xf32, #tpu.memory_space<vmem_shared>>
      %dma_wait3A_51 = arith.constant 0 : i32
      %dma_wait3A_52 = tpu.memref_slice %arg10[%add3A_42, %dma_wait3A_51] : memref<10240x128xf32, #tpu.memory_space<vmem_shared>> -> memref<128x128xf32, #tpu.memory_space<vmem_shared>>
      tpu.wait_dma2 semaphore(%run_scoped3A : memref<!tpu.dma_semaphore, #tpu.memory_space<semaphore_mem>>) src(%dma_wait3A_52 : memref<128x128xf32, #tpu.memory_space<vmem_shared>>) dst(%arg9 : memref<128x128xf32, #tpu.memory_space<vmem>>)
      tpu.yield
    }) : () -> ()
    "tpu.region"() ({
      %run_scoped3A = tpu.sem_alloc : memref<!tpu.dma_semaphore, #tpu.memory_space<semaphore_mem>>
      %dma_start3A = arith.constant 0 : i32
      %dma_start3A_47 = tpu.memref_slice %arg6[%arg0, %add3A_42, %dma_start3A] : memref<2x10240x128xf32, #tpu.memory_space<hbm>> -> memref<1x128x128xf32, #tpu.memory_space<hbm>>
      %dma_start3A_48 = tpu.memref_squeeze %dma_start3A_47 : memref<1x128x128xf32, #tpu.memory_space<hbm>> -> memref<128x128xf32, #tpu.memory_space<hbm>>
      %dma_start3A_49 = arith.constant 0 : i32
      %dma_start3A_50 = tpu.memref_slice %arg6[%arg0, %add3A_42, %dma_start3A_49] : memref<2x10240x128xf32, #tpu.memory_space<hbm>> -> memref<1x128x128xf32, #tpu.memory_space<hbm>>
      %dma_start3A_51 = tpu.memref_squeeze %dma_start3A_50 : memref<1x128x128xf32, #tpu.memory_space<hbm>> -> memref<128x128xf32, #tpu.memory_space<hbm>>
      tpu.enqueue_dma source(%arg9 : memref<128x128xf32, #tpu.memory_space<vmem>>) target(%dma_start3A_51 : memref<128x128xf32, #tpu.memory_space<hbm>>) target_semaphore(%run_scoped3A : memref<!tpu.dma_semaphore, #tpu.memory_space<semaphore_mem>>)
      %dma_wait3A = arith.constant 0 : i32
      %dma_wait3A_52 = tpu.memref_slice %arg6[%arg0, %add3A_42, %dma_wait3A] : memref<2x10240x128xf32, #tpu.memory_space<hbm>> -> memref<1x128x128xf32, #tpu.memory_space<hbm>>
      %dma_wait3A_53 = tpu.memref_squeeze %dma_wait3A_52 : memref<1x128x128xf32, #tpu.memory_space<hbm>> -> memref<128x128xf32, #tpu.memory_space<hbm>>
      %dma_wait3A_54 = arith.constant 0 : i32
      %dma_wait3A_55 = tpu.memref_slice %arg6[%arg0, %add3A_42, %dma_wait3A_54] : memref<2x10240x128xf32, #tpu.memory_space<hbm>> -> memref<1x128x128xf32, #tpu.memory_space<hbm>>
      %dma_wait3A_56 = tpu.memref_squeeze %dma_wait3A_55 : memref<1x128x128xf32, #tpu.memory_space<hbm>> -> memref<128x128xf32, #tpu.memory_space<hbm>>
      tpu.wait_dma2 semaphore(%run_scoped3A : memref<!tpu.dma_semaphore, #tpu.memory_space<semaphore_mem>>) src(%arg9 : memref<128x128xf32, #tpu.memory_space<vmem>>) dst(%dma_wait3A_56 : memref<128x128xf32, #tpu.memory_space<hbm>>)
      tpu.yield
    }) : () -> ()
    %mul3A_43 = arith.constant 640 : i32
    %mul3A_44 = arith.muli %arg1, %mul3A_43 : i32
    %add3A_45 = arith.constant 512 : i32
    %add3A_46 = arith.addi %mul3A_44, %add3A_45 : i32
    "tpu.region"() ({
      %run_scoped3A = tpu.sem_alloc : memref<!tpu.dma_semaphore, #tpu.memory_space<semaphore_mem>>
      %dma_start3A = arith.constant 0 : i32
      %dma_start3A_47 = tpu.memref_slice %arg10[%add3A_46, %dma_start3A] : memref<10240x128xf32, #tpu.memory_space<vmem_shared>> -> memref<128x128xf32, #tpu.memory_space<vmem_shared>>
      %dma_start3A_48 = arith.constant 0 : i32
      %dma_start3A_49 = tpu.memref_slice %arg10[%add3A_46, %dma_start3A_48] : memref<10240x128xf32, #tpu.memory_space<vmem_shared>> -> memref<128x128xf32, #tpu.memory_space<vmem_shared>>
      tpu.enqueue_dma source(%dma_start3A_49 : memref<128x128xf32, #tpu.memory_space<vmem_shared>>) target(%arg9 : memref<128x128xf32, #tpu.memory_space<vmem>>) target_semaphore(%run_scoped3A : memref<!tpu.dma_semaphore, #tpu.memory_space<semaphore_mem>>)
      %dma_wait3A = arith.constant 0 : i32
      %dma_wait3A_50 = tpu.memref_slice %arg10[%add3A_46, %dma_wait3A] : memref<10240x128xf32, #tpu.memory_space<vmem_shared>> -> memref<128x128xf32, #tpu.memory_space<vmem_shared>>
      %dma_wait3A_51 = arith.constant 0 : i32
      %dma_wait3A_52 = tpu.memref_slice %arg10[%add3A_46, %dma_wait3A_51] : memref<10240x128xf32, #tpu.memory_space<vmem_shared>> -> memref<128x128xf32, #tpu.memory_space<vmem_shared>>
      tpu.wait_dma2 semaphore(%run_scoped3A : memref<!tpu.dma_semaphore, #tpu.memory_space<semaphore_mem>>) src(%dma_wait3A_52 : memref<128x128xf32, #tpu.memory_space<vmem_shared>>) dst(%arg9 : memref<128x128xf32, #tpu.memory_space<vmem>>)
      tpu.yield
    }) : () -> ()
    "tpu.region"() ({
      %run_scoped3A = tpu.sem_alloc : memref<!tpu.dma_semaphore, #tpu.memory_space<semaphore_mem>>
      %dma_start3A = arith.constant 0 : i32
      %dma_start3A_47 = tpu.memref_slice %arg6[%arg0, %add3A_46, %dma_start3A] : memref<2x10240x128xf32, #tpu.memory_space<hbm>> -> memref<1x128x128xf32, #tpu.memory_space<hbm>>
      %dma_start3A_48 = tpu.memref_squeeze %dma_start3A_47 : memref<1x128x128xf32, #tpu.memory_space<hbm>> -> memref<128x128xf32, #tpu.memory_space<hbm>>
      %dma_start3A_49 = arith.constant 0 : i32
      %dma_start3A_50 = tpu.memref_slice %arg6[%arg0, %add3A_46, %dma_start3A_49] : memref<2x10240x128xf32, #tpu.memory_space<hbm>> -> memref<1x128x128xf32, #tpu.memory_space<hbm>>
      %dma_start3A_51 = tpu.memref_squeeze %dma_start3A_50 : memref<1x128x128xf32, #tpu.memory_space<hbm>> -> memref<128x128xf32, #tpu.memory_space<hbm>>
      tpu.enqueue_dma source(%arg9 : memref<128x128xf32, #tpu.memory_space<vmem>>) target(%dma_start3A_51 : memref<128x128xf32, #tpu.memory_space<hbm>>) target_semaphore(%run_scoped3A : memref<!tpu.dma_semaphore, #tpu.memory_space<semaphore_mem>>)
      %dma_wait3A = arith.constant 0 : i32
      %dma_wait3A_52 = tpu.memref_slice %arg6[%arg0, %add3A_46, %dma_wait3A] : memref<2x10240x128xf32, #tpu.memory_space<hbm>> -> memref<1x128x128xf32, #tpu.memory_space<hbm>>
      %dma_wait3A_53 = tpu.memref_squeeze %dma_wait3A_52 : memref<1x128x128xf32, #tpu.memory_space<hbm>> -> memref<128x128xf32, #tpu.memory_space<hbm>>
      %dma_wait3A_54 = arith.constant 0 : i32
      %dma_wait3A_55 = tpu.memref_slice %arg6[%arg0, %add3A_46, %dma_wait3A_54] : memref<2x10240x128xf32, #tpu.memory_space<hbm>> -> memref<1x128x128xf32, #tpu.memory_space<hbm>>
      %dma_wait3A_56 = tpu.memref_squeeze %dma_wait3A_55 : memref<1x128x128xf32, #tpu.memory_space<hbm>> -> memref<128x128xf32, #tpu.memory_space<hbm>>
      tpu.wait_dma2 semaphore(%run_scoped3A : memref<!tpu.dma_semaphore, #tpu.memory_space<semaphore_mem>>) src(%arg9 : memref<128x128xf32, #tpu.memory_space<vmem>>) dst(%dma_wait3A_56 : memref<128x128xf32, #tpu.memory_space<hbm>>)
      tpu.yield
    }) : () -> ()
    return
  }
}

#map = affine_map<(d0, d1) -> (0, 0)>
#map1 = affine_map<(d0, d1) -> (0, 0, 0)>
module attributes {stable_mosaic.version = 14 : i64} {
  func.func @_agg_body(%arg0: i32, %arg1: i32, %arg2: memref<10000x128xf32, #tpu.memory_space<hbm>>, %arg3: memref<32x79x128xi32, #tpu.memory_space<hbm>>, %arg4: memref<32x79x128xi32, #tpu.memory_space<hbm>>, %arg5: memref<128x128xf32, #tpu.memory_space<hbm>>, %arg6: memref<2x10240x128xf32, #tpu.memory_space<hbm>>, %arg7: memref<128xi32, #tpu.memory_space<vmem>>, %arg8: memref<128xi32, #tpu.memory_space<vmem>>, %arg9: memref<128x128xf32, #tpu.memory_space<vmem>>, %arg10: memref<10240x128xf32, #tpu.memory_space<vmem_shared>>, %arg11: memref<!tpu.dma_semaphore, #tpu.memory_space<semaphore_mem>>) attributes {dimension_semantics = [#tpu.dimension_semantics<core_parallel>, #tpu.dimension_semantics<subcore_parallel>], iteration_bounds = array<i64: 2, 16>, scalar_prefetch = 0 : i64, scratch_operands = 5 : i64, tpu.core_type = #tpu.core_type<sc_vector_subcore>, window_params = [{transform_indices = #map}, {transform_indices = #map1}, {transform_indices = #map1}, {transform_indices = #map}, {transform_indices = #map1}]} {
    %mul3A = arith.constant 16 : i32
    %mul3A_0 = arith.muli %arg0, %mul3A : i32
    %add3A = arith.addi %mul3A_0, %arg1 : i32
    "tpu.region"() ({
      %run_scoped3A = tpu.sem_alloc : memref<!tpu.dma_semaphore, #tpu.memory_space<semaphore_mem>>
      tpu.enqueue_dma source(%arg5 : memref<128x128xf32, #tpu.memory_space<hbm>>) target(%arg9 : memref<128x128xf32, #tpu.memory_space<vmem>>) target_semaphore(%run_scoped3A : memref<!tpu.dma_semaphore, #tpu.memory_space<semaphore_mem>>)
      tpu.wait_dma2 semaphore(%run_scoped3A : memref<!tpu.dma_semaphore, #tpu.memory_space<semaphore_mem>>) src(%arg5 : memref<128x128xf32, #tpu.memory_space<hbm>>) dst(%arg9 : memref<128x128xf32, #tpu.memory_space<vmem>>)
      tpu.yield
    }) : () -> ()
    %mul3A_1 = arith.constant 640 : i32
    %mul3A_2 = arith.muli %arg1, %mul3A_1 : i32
    %add3A_3 = arith.constant 0 : i32
    %add3A_4 = arith.addi %mul3A_2, %add3A_3 : i32
    "tpu.region"() ({
      %run_scoped3A = tpu.sem_alloc : memref<!tpu.dma_semaphore, #tpu.memory_space<semaphore_mem>>
      %dma_start3A = arith.constant 0 : i32
      %dma_start3A_47 = tpu.memref_slice %arg10[%add3A_4, %dma_start3A] : memref<10240x128xf32, #tpu.memory_space<vmem_shared>> -> memref<128x128xf32, #tpu.memory_space<vmem_shared>>
      %dma_start3A_48 = arith.constant 0 : i32
      %dma_start3A_49 = tpu.memref_slice %arg10[%add3A_4, %dma_start3A_48] : memref<10240x128xf32, #tpu.memory_space<vmem_shared>> -> memref<128x128xf32, #tpu.memory_space<vmem_shared>>
      tpu.enqueue_dma source(%arg9 : memref<128x128xf32, #tpu.memory_space<vmem>>) target(%dma_start3A_49 : memref<128x128xf32, #tpu.memory_space<vmem_shared>>) target_semaphore(%run_scoped3A : memref<!tpu.dma_semaphore, #tpu.memory_space<semaphore_mem>>)
      %dma_wait3A = arith.constant 0 : i32
      %dma_wait3A_50 = tpu.memref_slice %arg10[%add3A_4, %dma_wait3A] : memref<10240x128xf32, #tpu.memory_space<vmem_shared>> -> memref<128x128xf32, #tpu.memory_space<vmem_shared>>
      %dma_wait3A_51 = arith.constant 0 : i32
      %dma_wait3A_52 = tpu.memref_slice %arg10[%add3A_4, %dma_wait3A_51] : memref<10240x128xf32, #tpu.memory_space<vmem_shared>> -> memref<128x128xf32, #tpu.memory_space<vmem_shared>>
      tpu.wait_dma2 semaphore(%run_scoped3A : memref<!tpu.dma_semaphore, #tpu.memory_space<semaphore_mem>>) src(%arg9 : memref<128x128xf32, #tpu.memory_space<vmem>>) dst(%dma_wait3A_52 : memref<128x128xf32, #tpu.memory_space<vmem_shared>>)
      tpu.yield
    }) : () -> ()
    %mul3A_5 = arith.constant 640 : i32
    %mul3A_6 = arith.muli %arg1, %mul3A_5 : i32
    %add3A_7 = arith.constant 128 : i32
    %add3A_8 = arith.addi %mul3A_6, %add3A_7 : i32
    "tpu.region"() ({
      %run_scoped3A = tpu.sem_alloc : memref<!tpu.dma_semaphore, #tpu.memory_space<semaphore_mem>>
      %dma_start3A = arith.constant 0 : i32
      %dma_start3A_47 = tpu.memref_slice %arg10[%add3A_8, %dma_start3A] : memref<10240x128xf32, #tpu.memory_space<vmem_shared>> -> memref<128x128xf32, #tpu.memory_space<vmem_shared>>
      %dma_start3A_48 = arith.constant 0 : i32
      %dma_start3A_49 = tpu.memref_slice %arg10[%add3A_8, %dma_start3A_48] : memref<10240x128xf32, #tpu.memory_space<vmem_shared>> -> memref<128x128xf32, #tpu.memory_space<vmem_shared>>
      tpu.enqueue_dma source(%arg9 : memref<128x128xf32, #tpu.memory_space<vmem>>) target(%dma_start3A_49 : memref<128x128xf32, #tpu.memory_space<vmem_shared>>) target_semaphore(%run_scoped3A : memref<!tpu.dma_semaphore, #tpu.memory_space<semaphore_mem>>)
      %dma_wait3A = arith.constant 0 : i32
      %dma_wait3A_50 = tpu.memref_slice %arg10[%add3A_8, %dma_wait3A] : memref<10240x128xf32, #tpu.memory_space<vmem_shared>> -> memref<128x128xf32, #tpu.memory_space<vmem_shared>>
      %dma_wait3A_51 = arith.constant 0 : i32
      %dma_wait3A_52 = tpu.memref_slice %arg10[%add3A_8, %dma_wait3A_51] : memref<10240x128xf32, #tpu.memory_space<vmem_shared>> -> memref<128x128xf32, #tpu.memory_space<vmem_shared>>
      tpu.wait_dma2 semaphore(%run_scoped3A : memref<!tpu.dma_semaphore, #tpu.memory_space<semaphore_mem>>) src(%arg9 : memref<128x128xf32, #tpu.memory_space<vmem>>) dst(%dma_wait3A_52 : memref<128x128xf32, #tpu.memory_space<vmem_shared>>)
      tpu.yield
    }) : () -> ()
    %mul3A_9 = arith.constant 640 : i32
    %mul3A_10 = arith.muli %arg1, %mul3A_9 : i32
    %add3A_11 = arith.constant 256 : i32
    %add3A_12 = arith.addi %mul3A_10, %add3A_11 : i32
    "tpu.region"() ({
      %run_scoped3A = tpu.sem_alloc : memref<!tpu.dma_semaphore, #tpu.memory_space<semaphore_mem>>
      %dma_start3A = arith.constant 0 : i32
      %dma_start3A_47 = tpu.memref_slice %arg10[%add3A_12, %dma_start3A] : memref<10240x128xf32, #tpu.memory_space<vmem_shared>> -> memref<128x128xf32, #tpu.memory_space<vmem_shared>>
      %dma_start3A_48 = arith.constant 0 : i32
      %dma_start3A_49 = tpu.memref_slice %arg10[%add3A_12, %dma_start3A_48] : memref<10240x128xf32, #tpu.memory_space<vmem_shared>> -> memref<128x128xf32, #tpu.memory_space<vmem_shared>>
      tpu.enqueue_dma source(%arg9 : memref<128x128xf32, #tpu.memory_space<vmem>>) target(%dma_start3A_49 : memref<128x128xf32, #tpu.memory_space<vmem_shared>>) target_semaphore(%run_scoped3A : memref<!tpu.dma_semaphore, #tpu.memory_space<semaphore_mem>>)
      %dma_wait3A = arith.constant 0 : i32
      %dma_wait3A_50 = tpu.memref_slice %arg10[%add3A_12, %dma_wait3A] : memref<10240x128xf32, #tpu.memory_space<vmem_shared>> -> memref<128x128xf32, #tpu.memory_space<vmem_shared>>
      %dma_wait3A_51 = arith.constant 0 : i32
      %dma_wait3A_52 = tpu.memref_slice %arg10[%add3A_12, %dma_wait3A_51] : memref<10240x128xf32, #tpu.memory_space<vmem_shared>> -> memref<128x128xf32, #tpu.memory_space<vmem_shared>>
      tpu.wait_dma2 semaphore(%run_scoped3A : memref<!tpu.dma_semaphore, #tpu.memory_space<semaphore_mem>>) src(%arg9 : memref<128x128xf32, #tpu.memory_space<vmem>>) dst(%dma_wait3A_52 : memref<128x128xf32, #tpu.memory_space<vmem_shared>>)
      tpu.yield
    }) : () -> ()
    %mul3A_13 = arith.constant 640 : i32
    %mul3A_14 = arith.muli %arg1, %mul3A_13 : i32
    %add3A_15 = arith.constant 384 : i32
    %add3A_16 = arith.addi %mul3A_14, %add3A_15 : i32
    "tpu.region"() ({
      %run_scoped3A = tpu.sem_alloc : memref<!tpu.dma_semaphore, #tpu.memory_space<semaphore_mem>>
      %dma_start3A = arith.constant 0 : i32
      %dma_start3A_47 = tpu.memref_slice %arg10[%add3A_16, %dma_start3A] : memref<10240x128xf32, #tpu.memory_space<vmem_shared>> -> memref<128x128xf32, #tpu.memory_space<vmem_shared>>
      %dma_start3A_48 = arith.constant 0 : i32
      %dma_start3A_49 = tpu.memref_slice %arg10[%add3A_16, %dma_start3A_48] : memref<10240x128xf32, #tpu.memory_space<vmem_shared>> -> memref<128x128xf32, #tpu.memory_space<vmem_shared>>
      tpu.enqueue_dma source(%arg9 : memref<128x128xf32, #tpu.memory_space<vmem>>) target(%dma_start3A_49 : memref<128x128xf32, #tpu.memory_space<vmem_shared>>) target_semaphore(%run_scoped3A : memref<!tpu.dma_semaphore, #tpu.memory_space<semaphore_mem>>)
      %dma_wait3A = arith.constant 0 : i32
      %dma_wait3A_50 = tpu.memref_slice %arg10[%add3A_16, %dma_wait3A] : memref<10240x128xf32, #tpu.memory_space<vmem_shared>> -> memref<128x128xf32, #tpu.memory_space<vmem_shared>>
      %dma_wait3A_51 = arith.constant 0 : i32
      %dma_wait3A_52 = tpu.memref_slice %arg10[%add3A_16, %dma_wait3A_51] : memref<10240x128xf32, #tpu.memory_space<vmem_shared>> -> memref<128x128xf32, #tpu.memory_space<vmem_shared>>
      tpu.wait_dma2 semaphore(%run_scoped3A : memref<!tpu.dma_semaphore, #tpu.memory_space<semaphore_mem>>) src(%arg9 : memref<128x128xf32, #tpu.memory_space<vmem>>) dst(%dma_wait3A_52 : memref<128x128xf32, #tpu.memory_space<vmem_shared>>)
      tpu.yield
    }) : () -> ()
    %mul3A_17 = arith.constant 640 : i32
    %mul3A_18 = arith.muli %arg1, %mul3A_17 : i32
    %add3A_19 = arith.constant 512 : i32
    %add3A_20 = arith.addi %mul3A_18, %add3A_19 : i32
    "tpu.region"() ({
      %run_scoped3A = tpu.sem_alloc : memref<!tpu.dma_semaphore, #tpu.memory_space<semaphore_mem>>
      %dma_start3A = arith.constant 0 : i32
      %dma_start3A_47 = tpu.memref_slice %arg10[%add3A_20, %dma_start3A] : memref<10240x128xf32, #tpu.memory_space<vmem_shared>> -> memref<128x128xf32, #tpu.memory_space<vmem_shared>>
      %dma_start3A_48 = arith.constant 0 : i32
      %dma_start3A_49 = tpu.memref_slice %arg10[%add3A_20, %dma_start3A_48] : memref<10240x128xf32, #tpu.memory_space<vmem_shared>> -> memref<128x128xf32, #tpu.memory_space<vmem_shared>>
      tpu.enqueue_dma source(%arg9 : memref<128x128xf32, #tpu.memory_space<vmem>>) target(%dma_start3A_49 : memref<128x128xf32, #tpu.memory_space<vmem_shared>>) target_semaphore(%run_scoped3A : memref<!tpu.dma_semaphore, #tpu.memory_space<semaphore_mem>>)
      %dma_wait3A = arith.constant 0 : i32
      %dma_wait3A_50 = tpu.memref_slice %arg10[%add3A_20, %dma_wait3A] : memref<10240x128xf32, #tpu.memory_space<vmem_shared>> -> memref<128x128xf32, #tpu.memory_space<vmem_shared>>
      %dma_wait3A_51 = arith.constant 0 : i32
      %dma_wait3A_52 = tpu.memref_slice %arg10[%add3A_20, %dma_wait3A_51] : memref<10240x128xf32, #tpu.memory_space<vmem_shared>> -> memref<128x128xf32, #tpu.memory_space<vmem_shared>>
      tpu.wait_dma2 semaphore(%run_scoped3A : memref<!tpu.dma_semaphore, #tpu.memory_space<semaphore_mem>>) src(%arg9 : memref<128x128xf32, #tpu.memory_space<vmem>>) dst(%dma_wait3A_52 : memref<128x128xf32, #tpu.memory_space<vmem_shared>>)
      tpu.yield
    }) : () -> ()
    %barrier3A = arith.constant 0 : index
    tpu.barrier barrier_id(%barrier3A)
    %scan3A = arith.constant 0 : i32
    %scan3A_21 = arith.constant 0 : i32
    %scan3A_22 = arith.constant 79 : i32
    %scan3A_23 = arith.addi %scan3A_21, %scan3A_22 : i32
    %scan3A_24 = arith.constant 1 : i32
    scf.for %scan3A_47 = %scan3A_21 to %scan3A_23 step %scan3A_24  : i32 {
      "tpu.region"() ({
        %run_scoped3A = tpu.sem_alloc : memref<!tpu.dma_semaphore, #tpu.memory_space<semaphore_mem>>
        %dma_start3A_52 = arith.constant 0 : i32
        %dma_start3A_53 = tpu.memref_slice %arg3[%add3A, %scan3A_47, %dma_start3A_52] : memref<32x79x128xi32, #tpu.memory_space<hbm>> -> memref<1x1x128xi32, #tpu.memory_space<hbm>>
        %dma_start3A_54 = tpu.memref_squeeze %dma_start3A_53 : memref<1x1x128xi32, #tpu.memory_space<hbm>> -> memref<128xi32, #tpu.memory_space<hbm>>
        %dma_start3A_55 = arith.constant 0 : i32
        %dma_start3A_56 = tpu.memref_slice %arg3[%add3A, %scan3A_47, %dma_start3A_55] : memref<32x79x128xi32, #tpu.memory_space<hbm>> -> memref<1x1x128xi32, #tpu.memory_space<hbm>>
        %dma_start3A_57 = tpu.memref_squeeze %dma_start3A_56 : memref<1x1x128xi32, #tpu.memory_space<hbm>> -> memref<128xi32, #tpu.memory_space<hbm>>
        tpu.enqueue_dma source(%dma_start3A_57 : memref<128xi32, #tpu.memory_space<hbm>>) target(%arg7 : memref<128xi32, #tpu.memory_space<vmem>>) target_semaphore(%run_scoped3A : memref<!tpu.dma_semaphore, #tpu.memory_space<semaphore_mem>>)
        %dma_wait3A_58 = arith.constant 0 : i32
        %dma_wait3A_59 = tpu.memref_slice %arg3[%add3A, %scan3A_47, %dma_wait3A_58] : memref<32x79x128xi32, #tpu.memory_space<hbm>> -> memref<1x1x128xi32, #tpu.memory_space<hbm>>
        %dma_wait3A_60 = tpu.memref_squeeze %dma_wait3A_59 : memref<1x1x128xi32, #tpu.memory_space<hbm>> -> memref<128xi32, #tpu.memory_space<hbm>>
        %dma_wait3A_61 = arith.constant 0 : i32
        %dma_wait3A_62 = tpu.memref_slice %arg3[%add3A, %scan3A_47, %dma_wait3A_61] : memref<32x79x128xi32, #tpu.memory_space<hbm>> -> memref<1x1x128xi32, #tpu.memory_space<hbm>>
        %dma_wait3A_63 = tpu.memref_squeeze %dma_wait3A_62 : memref<1x1x128xi32, #tpu.memory_space<hbm>> -> memref<128xi32, #tpu.memory_space<hbm>>
        tpu.wait_dma2 semaphore(%run_scoped3A : memref<!tpu.dma_semaphore, #tpu.memory_space<semaphore_mem>>) src(%dma_wait3A_63 : memref<128xi32, #tpu.memory_space<hbm>>) dst(%arg7 : memref<128xi32, #tpu.memory_space<vmem>>)
        tpu.yield
      }) : () -> ()
      "tpu.region"() ({
        %run_scoped3A = tpu.sem_alloc : memref<!tpu.dma_semaphore, #tpu.memory_space<semaphore_mem>>
        %dma_start3A_52 = arith.constant 0 : i32
        %dma_start3A_53 = tpu.memref_slice %arg4[%add3A, %scan3A_47, %dma_start3A_52] : memref<32x79x128xi32, #tpu.memory_space<hbm>> -> memref<1x1x128xi32, #tpu.memory_space<hbm>>
        %dma_start3A_54 = tpu.memref_squeeze %dma_start3A_53 : memref<1x1x128xi32, #tpu.memory_space<hbm>> -> memref<128xi32, #tpu.memory_space<hbm>>
        %dma_start3A_55 = arith.constant 0 : i32
        %dma_start3A_56 = tpu.memref_slice %arg4[%add3A, %scan3A_47, %dma_start3A_55] : memref<32x79x128xi32, #tpu.memory_space<hbm>> -> memref<1x1x128xi32, #tpu.memory_space<hbm>>
        %dma_start3A_57 = tpu.memref_squeeze %dma_start3A_56 : memref<1x1x128xi32, #tpu.memory_space<hbm>> -> memref<128xi32, #tpu.memory_space<hbm>>
        tpu.enqueue_dma source(%dma_start3A_57 : memref<128xi32, #tpu.memory_space<hbm>>) target(%arg8 : memref<128xi32, #tpu.memory_space<vmem>>) target_semaphore(%run_scoped3A : memref<!tpu.dma_semaphore, #tpu.memory_space<semaphore_mem>>)
        %dma_wait3A_58 = arith.constant 0 : i32
        %dma_wait3A_59 = tpu.memref_slice %arg4[%add3A, %scan3A_47, %dma_wait3A_58] : memref<32x79x128xi32, #tpu.memory_space<hbm>> -> memref<1x1x128xi32, #tpu.memory_space<hbm>>
        %dma_wait3A_60 = tpu.memref_squeeze %dma_wait3A_59 : memref<1x1x128xi32, #tpu.memory_space<hbm>> -> memref<128xi32, #tpu.memory_space<hbm>>
        %dma_wait3A_61 = arith.constant 0 : i32
        %dma_wait3A_62 = tpu.memref_slice %arg4[%add3A, %scan3A_47, %dma_wait3A_61] : memref<32x79x128xi32, #tpu.memory_space<hbm>> -> memref<1x1x128xi32, #tpu.memory_space<hbm>>
        %dma_wait3A_63 = tpu.memref_squeeze %dma_wait3A_62 : memref<1x1x128xi32, #tpu.memory_space<hbm>> -> memref<128xi32, #tpu.memory_space<hbm>>
        tpu.wait_dma2 semaphore(%run_scoped3A : memref<!tpu.dma_semaphore, #tpu.memory_space<semaphore_mem>>) src(%dma_wait3A_63 : memref<128xi32, #tpu.memory_space<hbm>>) dst(%arg8 : memref<128xi32, #tpu.memory_space<vmem>>)
        tpu.yield
      }) : () -> ()
      %dma_start3A = arith.constant 0 : i32
      %dma_start3A_48 = arith.constant 0 : i32
      %dma_start3A_49 = tpu.memref_slice %arg2[%dma_start3A, %dma_start3A_48] : memref<10000x128xf32, #tpu.memory_space<hbm>> -> memref<10000x128xf32, #tpu.memory_space<hbm>>
      tpu.enqueue_indirect_dma source(%dma_start3A_49 : memref<10000x128xf32, #tpu.memory_space<hbm>>) target(%arg9 : memref<128x128xf32, #tpu.memory_space<vmem>>) offsets(%arg7 : memref<128xi32, #tpu.memory_space<vmem>>) semaphore(%arg11 : memref<!tpu.dma_semaphore, #tpu.memory_space<semaphore_mem>>)
      %dma_wait3A = arith.constant 0 : i32
      %dma_wait3A_50 = arith.constant 0 : i32
      %dma_wait3A_51 = tpu.memref_slice %arg2[%dma_wait3A, %dma_wait3A_50] : memref<10000x128xf32, #tpu.memory_space<hbm>> -> memref<10000x128xf32, #tpu.memory_space<hbm>>
      tpu.wait_indirect_dma semaphore(%arg11 : memref<!tpu.dma_semaphore, #tpu.memory_space<semaphore_mem>>) src(%dma_wait3A_51 : memref<10000x128xf32, #tpu.memory_space<hbm>>) dst(%arg9 : memref<128x128xf32, #tpu.memory_space<vmem>>)
      "tpu.region"() ({
        %run_scoped3A = tpu.sem_alloc : memref<!tpu.dma_semaphore, #tpu.memory_space<semaphore_mem>>
        %dma_start3A_52 = arith.constant 0 : i32
        %dma_start3A_53 = arith.constant 0 : i32
        %dma_start3A_54 = tpu.memref_slice %arg10[%dma_start3A_52, %dma_start3A_53] : memref<10240x128xf32, #tpu.memory_space<vmem_shared>> -> memref<10240x128xf32, #tpu.memory_space<vmem_shared>>
        tpu.enqueue_indirect_dma source(%arg9 : memref<128x128xf32, #tpu.memory_space<vmem>>) target(%dma_start3A_54 : memref<10240x128xf32, #tpu.memory_space<vmem_shared>>) offsets(%arg8 : memref<128xi32, #tpu.memory_space<vmem>>) semaphore(%run_scoped3A : memref<!tpu.dma_semaphore, #tpu.memory_space<semaphore_mem>>) {add = true}
        %dma_wait3A_55 = arith.constant 0 : i32
        %dma_wait3A_56 = arith.constant 0 : i32
        %dma_wait3A_57 = tpu.memref_slice %arg10[%dma_wait3A_55, %dma_wait3A_56] : memref<10240x128xf32, #tpu.memory_space<vmem_shared>> -> memref<10240x128xf32, #tpu.memory_space<vmem_shared>>
        tpu.wait_indirect_dma semaphore(%run_scoped3A : memref<!tpu.dma_semaphore, #tpu.memory_space<semaphore_mem>>) src(%arg9 : memref<128x128xf32, #tpu.memory_space<vmem>>) dst(%dma_wait3A_57 : memref<10240x128xf32, #tpu.memory_space<vmem_shared>>)
        tpu.yield
      }) : () -> ()
    }
    %scan3A_25 = arith.constant 79 : i32
    %barrier3A_26 = arith.constant 0 : index
    tpu.barrier barrier_id(%barrier3A_26)
    %mul3A_27 = arith.constant 640 : i32
    %mul3A_28 = arith.muli %arg1, %mul3A_27 : i32
    %add3A_29 = arith.constant 0 : i32
    %add3A_30 = arith.addi %mul3A_28, %add3A_29 : i32
    "tpu.region"() ({
      %run_scoped3A = tpu.sem_alloc : memref<!tpu.dma_semaphore, #tpu.memory_space<semaphore_mem>>
      %dma_start3A = arith.constant 0 : i32
      %dma_start3A_47 = tpu.memref_slice %arg10[%add3A_30, %dma_start3A] : memref<10240x128xf32, #tpu.memory_space<vmem_shared>> -> memref<128x128xf32, #tpu.memory_space<vmem_shared>>
      %dma_start3A_48 = arith.constant 0 : i32
      %dma_start3A_49 = tpu.memref_slice %arg10[%add3A_30, %dma_start3A_48] : memref<10240x128xf32, #tpu.memory_space<vmem_shared>> -> memref<128x128xf32, #tpu.memory_space<vmem_shared>>
      tpu.enqueue_dma source(%dma_start3A_49 : memref<128x128xf32, #tpu.memory_space<vmem_shared>>) target(%arg9 : memref<128x128xf32, #tpu.memory_space<vmem>>) target_semaphore(%run_scoped3A : memref<!tpu.dma_semaphore, #tpu.memory_space<semaphore_mem>>)
      %dma_wait3A = arith.constant 0 : i32
      %dma_wait3A_50 = tpu.memref_slice %arg10[%add3A_30, %dma_wait3A] : memref<10240x128xf32, #tpu.memory_space<vmem_shared>> -> memref<128x128xf32, #tpu.memory_space<vmem_shared>>
      %dma_wait3A_51 = arith.constant 0 : i32
      %dma_wait3A_52 = tpu.memref_slice %arg10[%add3A_30, %dma_wait3A_51] : memref<10240x128xf32, #tpu.memory_space<vmem_shared>> -> memref<128x128xf32, #tpu.memory_space<vmem_shared>>
      tpu.wait_dma2 semaphore(%run_scoped3A : memref<!tpu.dma_semaphore, #tpu.memory_space<semaphore_mem>>) src(%dma_wait3A_52 : memref<128x128xf32, #tpu.memory_space<vmem_shared>>) dst(%arg9 : memref<128x128xf32, #tpu.memory_space<vmem>>)
      tpu.yield
    }) : () -> ()
    "tpu.region"() ({
      %run_scoped3A = tpu.sem_alloc : memref<!tpu.dma_semaphore, #tpu.memory_space<semaphore_mem>>
      %dma_start3A = arith.constant 0 : i32
      %dma_start3A_47 = tpu.memref_slice %arg6[%arg0, %add3A_30, %dma_start3A] : memref<2x10240x128xf32, #tpu.memory_space<hbm>> -> memref<1x128x128xf32, #tpu.memory_space<hbm>>
      %dma_start3A_48 = tpu.memref_squeeze %dma_start3A_47 : memref<1x128x128xf32, #tpu.memory_space<hbm>> -> memref<128x128xf32, #tpu.memory_space<hbm>>
      %dma_start3A_49 = arith.constant 0 : i32
      %dma_start3A_50 = tpu.memref_slice %arg6[%arg0, %add3A_30, %dma_start3A_49] : memref<2x10240x128xf32, #tpu.memory_space<hbm>> -> memref<1x128x128xf32, #tpu.memory_space<hbm>>
      %dma_start3A_51 = tpu.memref_squeeze %dma_start3A_50 : memref<1x128x128xf32, #tpu.memory_space<hbm>> -> memref<128x128xf32, #tpu.memory_space<hbm>>
      tpu.enqueue_dma source(%arg9 : memref<128x128xf32, #tpu.memory_space<vmem>>) target(%dma_start3A_51 : memref<128x128xf32, #tpu.memory_space<hbm>>) target_semaphore(%run_scoped3A : memref<!tpu.dma_semaphore, #tpu.memory_space<semaphore_mem>>)
      %dma_wait3A = arith.constant 0 : i32
      %dma_wait3A_52 = tpu.memref_slice %arg6[%arg0, %add3A_30, %dma_wait3A] : memref<2x10240x128xf32, #tpu.memory_space<hbm>> -> memref<1x128x128xf32, #tpu.memory_space<hbm>>
      %dma_wait3A_53 = tpu.memref_squeeze %dma_wait3A_52 : memref<1x128x128xf32, #tpu.memory_space<hbm>> -> memref<128x128xf32, #tpu.memory_space<hbm>>
      %dma_wait3A_54 = arith.constant 0 : i32
      %dma_wait3A_55 = tpu.memref_slice %arg6[%arg0, %add3A_30, %dma_wait3A_54] : memref<2x10240x128xf32, #tpu.memory_space<hbm>> -> memref<1x128x128xf32, #tpu.memory_space<hbm>>
      %dma_wait3A_56 = tpu.memref_squeeze %dma_wait3A_55 : memref<1x128x128xf32, #tpu.memory_space<hbm>> -> memref<128x128xf32, #tpu.memory_space<hbm>>
      tpu.wait_dma2 semaphore(%run_scoped3A : memref<!tpu.dma_semaphore, #tpu.memory_space<semaphore_mem>>) src(%arg9 : memref<128x128xf32, #tpu.memory_space<vmem>>) dst(%dma_wait3A_56 : memref<128x128xf32, #tpu.memory_space<hbm>>)
      tpu.yield
    }) : () -> ()
    %mul3A_31 = arith.constant 640 : i32
    %mul3A_32 = arith.muli %arg1, %mul3A_31 : i32
    %add3A_33 = arith.constant 128 : i32
    %add3A_34 = arith.addi %mul3A_32, %add3A_33 : i32
    "tpu.region"() ({
      %run_scoped3A = tpu.sem_alloc : memref<!tpu.dma_semaphore, #tpu.memory_space<semaphore_mem>>
      %dma_start3A = arith.constant 0 : i32
      %dma_start3A_47 = tpu.memref_slice %arg10[%add3A_34, %dma_start3A] : memref<10240x128xf32, #tpu.memory_space<vmem_shared>> -> memref<128x128xf32, #tpu.memory_space<vmem_shared>>
      %dma_start3A_48 = arith.constant 0 : i32
      %dma_start3A_49 = tpu.memref_slice %arg10[%add3A_34, %dma_start3A_48] : memref<10240x128xf32, #tpu.memory_space<vmem_shared>> -> memref<128x128xf32, #tpu.memory_space<vmem_shared>>
      tpu.enqueue_dma source(%dma_start3A_49 : memref<128x128xf32, #tpu.memory_space<vmem_shared>>) target(%arg9 : memref<128x128xf32, #tpu.memory_space<vmem>>) target_semaphore(%run_scoped3A : memref<!tpu.dma_semaphore, #tpu.memory_space<semaphore_mem>>)
      %dma_wait3A = arith.constant 0 : i32
      %dma_wait3A_50 = tpu.memref_slice %arg10[%add3A_34, %dma_wait3A] : memref<10240x128xf32, #tpu.memory_space<vmem_shared>> -> memref<128x128xf32, #tpu.memory_space<vmem_shared>>
      %dma_wait3A_51 = arith.constant 0 : i32
      %dma_wait3A_52 = tpu.memref_slice %arg10[%add3A_34, %dma_wait3A_51] : memref<10240x128xf32, #tpu.memory_space<vmem_shared>> -> memref<128x128xf32, #tpu.memory_space<vmem_shared>>
      tpu.wait_dma2 semaphore(%run_scoped3A : memref<!tpu.dma_semaphore, #tpu.memory_space<semaphore_mem>>) src(%dma_wait3A_52 : memref<128x128xf32, #tpu.memory_space<vmem_shared>>) dst(%arg9 : memref<128x128xf32, #tpu.memory_space<vmem>>)
      tpu.yield
    }) : () -> ()
    "tpu.region"() ({
      %run_scoped3A = tpu.sem_alloc : memref<!tpu.dma_semaphore, #tpu.memory_space<semaphore_mem>>
      %dma_start3A = arith.constant 0 : i32
      %dma_start3A_47 = tpu.memref_slice %arg6[%arg0, %add3A_34, %dma_start3A] : memref<2x10240x128xf32, #tpu.memory_space<hbm>> -> memref<1x128x128xf32, #tpu.memory_space<hbm>>
      %dma_start3A_48 = tpu.memref_squeeze %dma_start3A_47 : memref<1x128x128xf32, #tpu.memory_space<hbm>> -> memref<128x128xf32, #tpu.memory_space<hbm>>
      %dma_start3A_49 = arith.constant 0 : i32
      %dma_start3A_50 = tpu.memref_slice %arg6[%arg0, %add3A_34, %dma_start3A_49] : memref<2x10240x128xf32, #tpu.memory_space<hbm>> -> memref<1x128x128xf32, #tpu.memory_space<hbm>>
      %dma_start3A_51 = tpu.memref_squeeze %dma_start3A_50 : memref<1x128x128xf32, #tpu.memory_space<hbm>> -> memref<128x128xf32, #tpu.memory_space<hbm>>
      tpu.enqueue_dma source(%arg9 : memref<128x128xf32, #tpu.memory_space<vmem>>) target(%dma_start3A_51 : memref<128x128xf32, #tpu.memory_space<hbm>>) target_semaphore(%run_scoped3A : memref<!tpu.dma_semaphore, #tpu.memory_space<semaphore_mem>>)
      %dma_wait3A = arith.constant 0 : i32
      %dma_wait3A_52 = tpu.memref_slice %arg6[%arg0, %add3A_34, %dma_wait3A] : memref<2x10240x128xf32, #tpu.memory_space<hbm>> -> memref<1x128x128xf32, #tpu.memory_space<hbm>>
      %dma_wait3A_53 = tpu.memref_squeeze %dma_wait3A_52 : memref<1x128x128xf32, #tpu.memory_space<hbm>> -> memref<128x128xf32, #tpu.memory_space<hbm>>
      %dma_wait3A_54 = arith.constant 0 : i32
      %dma_wait3A_55 = tpu.memref_slice %arg6[%arg0, %add3A_34, %dma_wait3A_54] : memref<2x10240x128xf32, #tpu.memory_space<hbm>> -> memref<1x128x128xf32, #tpu.memory_space<hbm>>
      %dma_wait3A_56 = tpu.memref_squeeze %dma_wait3A_55 : memref<1x128x128xf32, #tpu.memory_space<hbm>> -> memref<128x128xf32, #tpu.memory_space<hbm>>
      tpu.wait_dma2 semaphore(%run_scoped3A : memref<!tpu.dma_semaphore, #tpu.memory_space<semaphore_mem>>) src(%arg9 : memref<128x128xf32, #tpu.memory_space<vmem>>) dst(%dma_wait3A_56 : memref<128x128xf32, #tpu.memory_space<hbm>>)
      tpu.yield
    }) : () -> ()
    %mul3A_35 = arith.constant 640 : i32
    %mul3A_36 = arith.muli %arg1, %mul3A_35 : i32
    %add3A_37 = arith.constant 256 : i32
    %add3A_38 = arith.addi %mul3A_36, %add3A_37 : i32
    "tpu.region"() ({
      %run_scoped3A = tpu.sem_alloc : memref<!tpu.dma_semaphore, #tpu.memory_space<semaphore_mem>>
      %dma_start3A = arith.constant 0 : i32
      %dma_start3A_47 = tpu.memref_slice %arg10[%add3A_38, %dma_start3A] : memref<10240x128xf32, #tpu.memory_space<vmem_shared>> -> memref<128x128xf32, #tpu.memory_space<vmem_shared>>
      %dma_start3A_48 = arith.constant 0 : i32
      %dma_start3A_49 = tpu.memref_slice %arg10[%add3A_38, %dma_start3A_48] : memref<10240x128xf32, #tpu.memory_space<vmem_shared>> -> memref<128x128xf32, #tpu.memory_space<vmem_shared>>
      tpu.enqueue_dma source(%dma_start3A_49 : memref<128x128xf32, #tpu.memory_space<vmem_shared>>) target(%arg9 : memref<128x128xf32, #tpu.memory_space<vmem>>) target_semaphore(%run_scoped3A : memref<!tpu.dma_semaphore, #tpu.memory_space<semaphore_mem>>)
      %dma_wait3A = arith.constant 0 : i32
      %dma_wait3A_50 = tpu.memref_slice %arg10[%add3A_38, %dma_wait3A] : memref<10240x128xf32, #tpu.memory_space<vmem_shared>> -> memref<128x128xf32, #tpu.memory_space<vmem_shared>>
      %dma_wait3A_51 = arith.constant 0 : i32
      %dma_wait3A_52 = tpu.memref_slice %arg10[%add3A_38, %dma_wait3A_51] : memref<10240x128xf32, #tpu.memory_space<vmem_shared>> -> memref<128x128xf32, #tpu.memory_space<vmem_shared>>
      tpu.wait_dma2 semaphore(%run_scoped3A : memref<!tpu.dma_semaphore, #tpu.memory_space<semaphore_mem>>) src(%dma_wait3A_52 : memref<128x128xf32, #tpu.memory_space<vmem_shared>>) dst(%arg9 : memref<128x128xf32, #tpu.memory_space<vmem>>)
      tpu.yield
    }) : () -> ()
    "tpu.region"() ({
      %run_scoped3A = tpu.sem_alloc : memref<!tpu.dma_semaphore, #tpu.memory_space<semaphore_mem>>
      %dma_start3A = arith.constant 0 : i32
      %dma_start3A_47 = tpu.memref_slice %arg6[%arg0, %add3A_38, %dma_start3A] : memref<2x10240x128xf32, #tpu.memory_space<hbm>> -> memref<1x128x128xf32, #tpu.memory_space<hbm>>
      %dma_start3A_48 = tpu.memref_squeeze %dma_start3A_47 : memref<1x128x128xf32, #tpu.memory_space<hbm>> -> memref<128x128xf32, #tpu.memory_space<hbm>>
      %dma_start3A_49 = arith.constant 0 : i32
      %dma_start3A_50 = tpu.memref_slice %arg6[%arg0, %add3A_38, %dma_start3A_49] : memref<2x10240x128xf32, #tpu.memory_space<hbm>> -> memref<1x128x128xf32, #tpu.memory_space<hbm>>
      %dma_start3A_51 = tpu.memref_squeeze %dma_start3A_50 : memref<1x128x128xf32, #tpu.memory_space<hbm>> -> memref<128x128xf32, #tpu.memory_space<hbm>>
      tpu.enqueue_dma source(%arg9 : memref<128x128xf32, #tpu.memory_space<vmem>>) target(%dma_start3A_51 : memref<128x128xf32, #tpu.memory_space<hbm>>) target_semaphore(%run_scoped3A : memref<!tpu.dma_semaphore, #tpu.memory_space<semaphore_mem>>)
      %dma_wait3A = arith.constant 0 : i32
      %dma_wait3A_52 = tpu.memref_slice %arg6[%arg0, %add3A_38, %dma_wait3A] : memref<2x10240x128xf32, #tpu.memory_space<hbm>> -> memref<1x128x128xf32, #tpu.memory_space<hbm>>
      %dma_wait3A_53 = tpu.memref_squeeze %dma_wait3A_52 : memref<1x128x128xf32, #tpu.memory_space<hbm>> -> memref<128x128xf32, #tpu.memory_space<hbm>>
      %dma_wait3A_54 = arith.constant 0 : i32
      %dma_wait3A_55 = tpu.memref_slice %arg6[%arg0, %add3A_38, %dma_wait3A_54] : memref<2x10240x128xf32, #tpu.memory_space<hbm>> -> memref<1x128x128xf32, #tpu.memory_space<hbm>>
      %dma_wait3A_56 = tpu.memref_squeeze %dma_wait3A_55 : memref<1x128x128xf32, #tpu.memory_space<hbm>> -> memref<128x128xf32, #tpu.memory_space<hbm>>
      tpu.wait_dma2 semaphore(%run_scoped3A : memref<!tpu.dma_semaphore, #tpu.memory_space<semaphore_mem>>) src(%arg9 : memref<128x128xf32, #tpu.memory_space<vmem>>) dst(%dma_wait3A_56 : memref<128x128xf32, #tpu.memory_space<hbm>>)
      tpu.yield
    }) : () -> ()
    %mul3A_39 = arith.constant 640 : i32
    %mul3A_40 = arith.muli %arg1, %mul3A_39 : i32
    %add3A_41 = arith.constant 384 : i32
    %add3A_42 = arith.addi %mul3A_40, %add3A_41 : i32
    "tpu.region"() ({
      %run_scoped3A = tpu.sem_alloc : memref<!tpu.dma_semaphore, #tpu.memory_space<semaphore_mem>>
      %dma_start3A = arith.constant 0 : i32
      %dma_start3A_47 = tpu.memref_slice %arg10[%add3A_42, %dma_start3A] : memref<10240x128xf32, #tpu.memory_space<vmem_shared>> -> memref<128x128xf32, #tpu.memory_space<vmem_shared>>
      %dma_start3A_48 = arith.constant 0 : i32
      %dma_start3A_49 = tpu.memref_slice %arg10[%add3A_42, %dma_start3A_48] : memref<10240x128xf32, #tpu.memory_space<vmem_shared>> -> memref<128x128xf32, #tpu.memory_space<vmem_shared>>
      tpu.enqueue_dma source(%dma_start3A_49 : memref<128x128xf32, #tpu.memory_space<vmem_shared>>) target(%arg9 : memref<128x128xf32, #tpu.memory_space<vmem>>) target_semaphore(%run_scoped3A : memref<!tpu.dma_semaphore, #tpu.memory_space<semaphore_mem>>)
      %dma_wait3A = arith.constant 0 : i32
      %dma_wait3A_50 = tpu.memref_slice %arg10[%add3A_42, %dma_wait3A] : memref<10240x128xf32, #tpu.memory_space<vmem_shared>> -> memref<128x128xf32, #tpu.memory_space<vmem_shared>>
      %dma_wait3A_51 = arith.constant 0 : i32
      %dma_wait3A_52 = tpu.memref_slice %arg10[%add3A_42, %dma_wait3A_51] : memref<10240x128xf32, #tpu.memory_space<vmem_shared>> -> memref<128x128xf32, #tpu.memory_space<vmem_shared>>
      tpu.wait_dma2 semaphore(%run_scoped3A : memref<!tpu.dma_semaphore, #tpu.memory_space<semaphore_mem>>) src(%dma_wait3A_52 : memref<128x128xf32, #tpu.memory_space<vmem_shared>>) dst(%arg9 : memref<128x128xf32, #tpu.memory_space<vmem>>)
      tpu.yield
    }) : () -> ()
    "tpu.region"() ({
      %run_scoped3A = tpu.sem_alloc : memref<!tpu.dma_semaphore, #tpu.memory_space<semaphore_mem>>
      %dma_start3A = arith.constant 0 : i32
      %dma_start3A_47 = tpu.memref_slice %arg6[%arg0, %add3A_42, %dma_start3A] : memref<2x10240x128xf32, #tpu.memory_space<hbm>> -> memref<1x128x128xf32, #tpu.memory_space<hbm>>
      %dma_start3A_48 = tpu.memref_squeeze %dma_start3A_47 : memref<1x128x128xf32, #tpu.memory_space<hbm>> -> memref<128x128xf32, #tpu.memory_space<hbm>>
      %dma_start3A_49 = arith.constant 0 : i32
      %dma_start3A_50 = tpu.memref_slice %arg6[%arg0, %add3A_42, %dma_start3A_49] : memref<2x10240x128xf32, #tpu.memory_space<hbm>> -> memref<1x128x128xf32, #tpu.memory_space<hbm>>
      %dma_start3A_51 = tpu.memref_squeeze %dma_start3A_50 : memref<1x128x128xf32, #tpu.memory_space<hbm>> -> memref<128x128xf32, #tpu.memory_space<hbm>>
      tpu.enqueue_dma source(%arg9 : memref<128x128xf32, #tpu.memory_space<vmem>>) target(%dma_start3A_51 : memref<128x128xf32, #tpu.memory_space<hbm>>) target_semaphore(%run_scoped3A : memref<!tpu.dma_semaphore, #tpu.memory_space<semaphore_mem>>)
      %dma_wait3A = arith.constant 0 : i32
      %dma_wait3A_52 = tpu.memref_slice %arg6[%arg0, %add3A_42, %dma_wait3A] : memref<2x10240x128xf32, #tpu.memory_space<hbm>> -> memref<1x128x128xf32, #tpu.memory_space<hbm>>
      %dma_wait3A_53 = tpu.memref_squeeze %dma_wait3A_52 : memref<1x128x128xf32, #tpu.memory_space<hbm>> -> memref<128x128xf32, #tpu.memory_space<hbm>>
      %dma_wait3A_54 = arith.constant 0 : i32
      %dma_wait3A_55 = tpu.memref_slice %arg6[%arg0, %add3A_42, %dma_wait3A_54] : memref<2x10240x128xf32, #tpu.memory_space<hbm>> -> memref<1x128x128xf32, #tpu.memory_space<hbm>>
      %dma_wait3A_56 = tpu.memref_squeeze %dma_wait3A_55 : memref<1x128x128xf32, #tpu.memory_space<hbm>> -> memref<128x128xf32, #tpu.memory_space<hbm>>
      tpu.wait_dma2 semaphore(%run_scoped3A : memref<!tpu.dma_semaphore, #tpu.memory_space<semaphore_mem>>) src(%arg9 : memref<128x128xf32, #tpu.memory_space<vmem>>) dst(%dma_wait3A_56 : memref<128x128xf32, #tpu.memory_space<hbm>>)
      tpu.yield
    }) : () -> ()
    %mul3A_43 = arith.constant 640 : i32
    %mul3A_44 = arith.muli %arg1, %mul3A_43 : i32
    %add3A_45 = arith.constant 512 : i32
    %add3A_46 = arith.addi %mul3A_44, %add3A_45 : i32
    "tpu.region"() ({
      %run_scoped3A = tpu.sem_alloc : memref<!tpu.dma_semaphore, #tpu.memory_space<semaphore_mem>>
      %dma_start3A = arith.constant 0 : i32
      %dma_start3A_47 = tpu.memref_slice %arg10[%add3A_46, %dma_start3A] : memref<10240x128xf32, #tpu.memory_space<vmem_shared>> -> memref<128x128xf32, #tpu.memory_space<vmem_shared>>
      %dma_start3A_48 = arith.constant 0 : i32
      %dma_start3A_49 = tpu.memref_slice %arg10[%add3A_46, %dma_start3A_48] : memref<10240x128xf32, #tpu.memory_space<vmem_shared>> -> memref<128x128xf32, #tpu.memory_space<vmem_shared>>
      tpu.enqueue_dma source(%dma_start3A_49 : memref<128x128xf32, #tpu.memory_space<vmem_shared>>) target(%arg9 : memref<128x128xf32, #tpu.memory_space<vmem>>) target_semaphore(%run_scoped3A : memref<!tpu.dma_semaphore, #tpu.memory_space<semaphore_mem>>)
      %dma_wait3A = arith.constant 0 : i32
      %dma_wait3A_50 = tpu.memref_slice %arg10[%add3A_46, %dma_wait3A] : memref<10240x128xf32, #tpu.memory_space<vmem_shared>> -> memref<128x128xf32, #tpu.memory_space<vmem_shared>>
      %dma_wait3A_51 = arith.constant 0 : i32
      %dma_wait3A_52 = tpu.memref_slice %arg10[%add3A_46, %dma_wait3A_51] : memref<10240x128xf32, #tpu.memory_space<vmem_shared>> -> memref<128x128xf32, #tpu.memory_space<vmem_shared>>
      tpu.wait_dma2 semaphore(%run_scoped3A : memref<!tpu.dma_semaphore, #tpu.memory_space<semaphore_mem>>) src(%dma_wait3A_52 : memref<128x128xf32, #tpu.memory_space<vmem_shared>>) dst(%arg9 : memref<128x128xf32, #tpu.memory_space<vmem>>)
      tpu.yield
    }) : () -> ()
    "tpu.region"() ({
      %run_scoped3A = tpu.sem_alloc : memref<!tpu.dma_semaphore, #tpu.memory_space<semaphore_mem>>
      %dma_start3A = arith.constant 0 : i32
      %dma_start3A_47 = tpu.memref_slice %arg6[%arg0, %add3A_46, %dma_start3A] : memref<2x10240x128xf32, #tpu.memory_space<hbm>> -> memref<1x128x128xf32, #tpu.memory_space<hbm>>
      %dma_start3A_48 = tpu.memref_squeeze %dma_start3A_47 : memref<1x128x128xf32, #tpu.memory_space<hbm>> -> memref<128x128xf32, #tpu.memory_space<hbm>>
      %dma_start3A_49 = arith.constant 0 : i32
      %dma_start3A_50 = tpu.memref_slice %arg6[%arg0, %add3A_46, %dma_start3A_49] : memref<2x10240x128xf32, #tpu.memory_space<hbm>> -> memref<1x128x128xf32, #tpu.memory_space<hbm>>
      %dma_start3A_51 = tpu.memref_squeeze %dma_start3A_50 : memref<1x128x128xf32, #tpu.memory_space<hbm>> -> memref<128x128xf32, #tpu.memory_space<hbm>>
      tpu.enqueue_dma source(%arg9 : memref<128x128xf32, #tpu.memory_space<vmem>>) target(%dma_start3A_51 : memref<128x128xf32, #tpu.memory_space<hbm>>) target_semaphore(%run_scoped3A : memref<!tpu.dma_semaphore, #tpu.memory_space<semaphore_mem>>)
      %dma_wait3A = arith.constant 0 : i32
      %dma_wait3A_52 = tpu.memref_slice %arg6[%arg0, %add3A_46, %dma_wait3A] : memref<2x10240x128xf32, #tpu.memory_space<hbm>> -> memref<1x128x128xf32, #tpu.memory_space<hbm>>
      %dma_wait3A_53 = tpu.memref_squeeze %dma_wait3A_52 : memref<1x128x128xf32, #tpu.memory_space<hbm>> -> memref<128x128xf32, #tpu.memory_space<hbm>>
      %dma_wait3A_54 = arith.constant 0 : i32
      %dma_wait3A_55 = tpu.memref_slice %arg6[%arg0, %add3A_46, %dma_wait3A_54] : memref<2x10240x128xf32, #tpu.memory_space<hbm>> -> memref<1x128x128xf32, #tpu.memory_space<hbm>>
      %dma_wait3A_56 = tpu.memref_squeeze %dma_wait3A_55 : memref<1x128x128xf32, #tpu.memory_space<hbm>> -> memref<128x128xf32, #tpu.memory_space<hbm>>
      tpu.wait_dma2 semaphore(%run_scoped3A : memref<!tpu.dma_semaphore, #tpu.memory_space<semaphore_mem>>) src(%arg9 : memref<128x128xf32, #tpu.memory_space<vmem>>) dst(%dma_wait3A_56 : memref<128x128xf32, #tpu.memory_space<hbm>>)
      tpu.yield
    }) : () -> ()
    return
  }
}

module attributes {stable_mosaic.version = 14 : i64} {
  func.func @_tc1_body(%arg0: memref<10000x128xf32, #tpu.memory_space<vmem>>, %arg1: memref<128x128xf32, #tpu.memory_space<vmem>>, %arg2: memref<2x10240x16xf32, #tpu.memory_space<vmem>>, %arg3: memref<10000x128xf32, #tpu.memory_space<vmem>>) attributes {dimension_semantics = [], scalar_prefetch = 0 : i64, scratch_operands = 0 : i64, tpu.core_type = #tpu.core_type<tc>} {
    %get3A = arith.constant 0 : index
    %get3A_0 = arith.constant 0 : index
    %get3A_1 = vector.load %arg0[%get3A, %get3A_0] : memref<10000x128xf32, #tpu.memory_space<vmem>>, vector<10000x128xf32>
    %get3A_2 = arith.constant 0 : index
    %get3A_3 = arith.constant 0 : index
    %get3A_4 = vector.load %arg1[%get3A_2, %get3A_3] : memref<128x128xf32, #tpu.memory_space<vmem>>, vector<128x128xf32>
    %dot_general3A = arith.constant dense<0.000000e+00> : vector<10000x128xf32>
    %dot_general3A_5 = tpu.matmul %get3A_1, %get3A_4, %dot_general3A {dimension_numbers = #tpu.dot_dimension_numbers<[1], [0], [0], [1], [0, 0, 1, 1], [], []>, transpose_lhs_hint = false} : vector<10000x128xf32>, vector<128x128xf32>, vector<10000x128xf32> -> vector<10000x128xf32>
    %get3A_6 = arith.constant 0 : index
    %get3A_7 = arith.constant 0 : index
    %get3A_8 = arith.constant 0 : index
    %get3A_9 = vector.load %arg2[%get3A_6, %get3A_7, %get3A_8] : memref<2x10240x16xf32, #tpu.memory_space<vmem>>, vector<1x10000x1xf32>
    %get3A_10 = vector.shape_cast %get3A_9 : vector<1x10000x1xf32> to vector<10000x1xf32>
    %add3A = arith.constant 1.000000e+00 : f32
    %add3A_11 = vector.broadcast %add3A : f32 to vector<10000x1xf32>
    %add3A_12 = arith.addf %add3A_11, %get3A_10 : vector<10000x1xf32>
    %get3A_13 = arith.constant 1 : index
    %get3A_14 = arith.constant 0 : index
    %get3A_15 = arith.constant 0 : index
    %get3A_16 = vector.load %arg2[%get3A_13, %get3A_14, %get3A_15] : memref<2x10240x16xf32, #tpu.memory_space<vmem>>, vector<1x10000x1xf32>
    %get3A_17 = vector.shape_cast %get3A_16 : vector<1x10000x1xf32> to vector<10000x1xf32>
    %add3A_18 = arith.addf %add3A_12, %get3A_17 : vector<10000x1xf32>
    %rsqrt3A = math.rsqrt %add3A_18 : vector<10000x1xf32>
    %mul3A = vector.broadcast %rsqrt3A : vector<10000x1xf32> to vector<10000x128xf32>
    %mul3A_19 = arith.mulf %dot_general3A_5, %mul3A : vector<10000x128xf32>
    %swap3A = arith.constant 0 : index
    %swap3A_20 = arith.constant 0 : index
    %swap3A_21 = vector.load %arg3[%swap3A, %swap3A_20] : memref<10000x128xf32, #tpu.memory_space<vmem>>, vector<10000x128xf32>
    tpu.vector_store %arg3[%swap3A, %swap3A_20], %mul3A_19 {strides = array<i32>} : memref<10000x128xf32, #tpu.memory_space<vmem>>, vector<10000x128xf32>,
    return
  }
}

module attributes {stable_mosaic.version = 14 : i64} {
  func.func @_tc2_body(%arg0: memref<2x10240x128xf32, #tpu.memory_space<vmem>>, %arg1: memref<10000x128xf32, #tpu.memory_space<vmem>>, %arg2: memref<2x10240x16xf32, #tpu.memory_space<vmem>>, %arg3: memref<128x128xf32, #tpu.memory_space<vmem>>, %arg4: memref<1x128xf32, #tpu.memory_space<vmem>>, %arg5: memref<10000x128xf32, #tpu.memory_space<vmem>>) attributes {dimension_semantics = [], scalar_prefetch = 0 : i64, scratch_operands = 0 : i64, tpu.core_type = #tpu.core_type<tc>} {
    %get3A = arith.constant 0 : index
    %get3A_0 = arith.constant 0 : index
    %get3A_1 = arith.constant 0 : index
    %get3A_2 = vector.load %arg2[%get3A, %get3A_0, %get3A_1] : memref<2x10240x16xf32, #tpu.memory_space<vmem>>, vector<1x10000x1xf32>
    %get3A_3 = vector.shape_cast %get3A_2 : vector<1x10000x1xf32> to vector<10000x1xf32>
    %add3A = arith.constant 1.000000e+00 : f32
    %add3A_4 = vector.broadcast %add3A : f32 to vector<10000x1xf32>
    %add3A_5 = arith.addf %add3A_4, %get3A_3 : vector<10000x1xf32>
    %get3A_6 = arith.constant 1 : index
    %get3A_7 = arith.constant 0 : index
    %get3A_8 = arith.constant 0 : index
    %get3A_9 = vector.load %arg2[%get3A_6, %get3A_7, %get3A_8] : memref<2x10240x16xf32, #tpu.memory_space<vmem>>, vector<1x10000x1xf32>
    %get3A_10 = vector.shape_cast %get3A_9 : vector<1x10000x1xf32> to vector<10000x1xf32>
    %add3A_11 = arith.addf %add3A_5, %get3A_10 : vector<10000x1xf32>
    %rsqrt3A = math.rsqrt %add3A_11 : vector<10000x1xf32>
    %get3A_12 = arith.constant 0 : index
    %get3A_13 = arith.constant 0 : index
    %get3A_14 = arith.constant 0 : index
    %get3A_15 = vector.load %arg0[%get3A_12, %get3A_13, %get3A_14] : memref<2x10240x128xf32, #tpu.memory_space<vmem>>, vector<1x10000x128xf32>
    %get3A_16 = vector.shape_cast %get3A_15 : vector<1x10000x128xf32> to vector<10000x128xf32>
    %get3A_17 = arith.constant 1 : index
    %get3A_18 = arith.constant 0 : index
    %get3A_19 = arith.constant 0 : index
    %get3A_20 = vector.load %arg0[%get3A_17, %get3A_18, %get3A_19] : memref<2x10240x128xf32, #tpu.memory_space<vmem>>, vector<1x10000x128xf32>
    %get3A_21 = vector.shape_cast %get3A_20 : vector<1x10000x128xf32> to vector<10000x128xf32>
    %add3A_22 = arith.addf %get3A_16, %get3A_21 : vector<10000x128xf32>
    %get3A_23 = arith.constant 0 : index
    %get3A_24 = arith.constant 0 : index
    %get3A_25 = vector.load %arg1[%get3A_23, %get3A_24] : memref<10000x128xf32, #tpu.memory_space<vmem>>, vector<10000x128xf32>
    %add3A_26 = arith.addf %add3A_22, %get3A_25 : vector<10000x128xf32>
    %mul3A = vector.broadcast %rsqrt3A : vector<10000x1xf32> to vector<10000x128xf32>
    %mul3A_27 = arith.mulf %add3A_26, %mul3A : vector<10000x128xf32>
    %get3A_28 = arith.constant 0 : index
    %get3A_29 = arith.constant 0 : index
    %get3A_30 = vector.load %arg4[%get3A_28, %get3A_29] : memref<1x128xf32, #tpu.memory_space<vmem>>, vector<1x128xf32>
    %add3A_31 = vector.broadcast %get3A_30 : vector<1x128xf32> to vector<10000x128xf32>
    %add3A_32 = arith.addf %mul3A_27, %add3A_31 : vector<10000x128xf32>
    %max3A = arith.constant 0.000000e+00 : f32
    %max3A_33 = vector.broadcast %max3A : f32 to vector<10000x128xf32>
    %max3A_34 = arith.maximumf %add3A_32, %max3A_33 : vector<10000x128xf32>
    %get3A_35 = arith.constant 0 : index
    %get3A_36 = arith.constant 0 : index
    %get3A_37 = vector.load %arg3[%get3A_35, %get3A_36] : memref<128x128xf32, #tpu.memory_space<vmem>>, vector<128x128xf32>
    %dot_general3A = arith.constant dense<0.000000e+00> : vector<10000x128xf32>
    %dot_general3A_38 = tpu.matmul %max3A_34, %get3A_37, %dot_general3A {dimension_numbers = #tpu.dot_dimension_numbers<[1], [0], [0], [1], [0, 0, 1, 1], [], []>, transpose_lhs_hint = false} : vector<10000x128xf32>, vector<128x128xf32>, vector<10000x128xf32> -> vector<10000x128xf32>
    %mul3A_39 = vector.broadcast %rsqrt3A : vector<10000x1xf32> to vector<10000x128xf32>
    %mul3A_40 = arith.mulf %dot_general3A_38, %mul3A_39 : vector<10000x128xf32>
    %swap3A = arith.constant 0 : index
    %swap3A_41 = arith.constant 0 : index
    %swap3A_42 = vector.load %arg5[%swap3A, %swap3A_41] : memref<10000x128xf32, #tpu.memory_space<vmem>>, vector<10000x128xf32>
    tpu.vector_store %arg5[%swap3A, %swap3A_41], %mul3A_40 {strides = array<i32>} : memref<10000x128xf32, #tpu.memory_space<vmem>>, vector<10000x128xf32>,
    return
  }
}

module attributes {stable_mosaic.version = 14 : i64} {
  func.func @_tc3_body(%arg0: memref<2x10240x128xf32, #tpu.memory_space<vmem>>, %arg1: memref<10000x128xf32, #tpu.memory_space<vmem>>, %arg2: memref<2x10240x16xf32, #tpu.memory_space<vmem>>, %arg3: memref<1x128xf32, #tpu.memory_space<vmem>>, %arg4: memref<128x128xf32, #tpu.memory_space<vmem>>, %arg5: memref<1x128xf32, #tpu.memory_space<vmem>>, %arg6: memref<10000x128xf32, #tpu.memory_space<vmem>>) attributes {dimension_semantics = [], scalar_prefetch = 0 : i64, scratch_operands = 0 : i64, tpu.core_type = #tpu.core_type<tc>} {
    %get3A = arith.constant 0 : index
    %get3A_0 = arith.constant 0 : index
    %get3A_1 = arith.constant 0 : index
    %get3A_2 = vector.load %arg2[%get3A, %get3A_0, %get3A_1] : memref<2x10240x16xf32, #tpu.memory_space<vmem>>, vector<1x10000x1xf32>
    %get3A_3 = vector.shape_cast %get3A_2 : vector<1x10000x1xf32> to vector<10000x1xf32>
    %add3A = arith.constant 1.000000e+00 : f32
    %add3A_4 = vector.broadcast %add3A : f32 to vector<10000x1xf32>
    %add3A_5 = arith.addf %add3A_4, %get3A_3 : vector<10000x1xf32>
    %get3A_6 = arith.constant 1 : index
    %get3A_7 = arith.constant 0 : index
    %get3A_8 = arith.constant 0 : index
    %get3A_9 = vector.load %arg2[%get3A_6, %get3A_7, %get3A_8] : memref<2x10240x16xf32, #tpu.memory_space<vmem>>, vector<1x10000x1xf32>
    %get3A_10 = vector.shape_cast %get3A_9 : vector<1x10000x1xf32> to vector<10000x1xf32>
    %add3A_11 = arith.addf %add3A_5, %get3A_10 : vector<10000x1xf32>
    %rsqrt3A = math.rsqrt %add3A_11 : vector<10000x1xf32>
    %get3A_12 = arith.constant 0 : index
    %get3A_13 = arith.constant 0 : index
    %get3A_14 = arith.constant 0 : index
    %get3A_15 = vector.load %arg0[%get3A_12, %get3A_13, %get3A_14] : memref<2x10240x128xf32, #tpu.memory_space<vmem>>, vector<1x10000x128xf32>
    %get3A_16 = vector.shape_cast %get3A_15 : vector<1x10000x128xf32> to vector<10000x128xf32>
    %get3A_17 = arith.constant 1 : index
    %get3A_18 = arith.constant 0 : index
    %get3A_19 = arith.constant 0 : index
    %get3A_20 = vector.load %arg0[%get3A_17, %get3A_18, %get3A_19] : memref<2x10240x128xf32, #tpu.memory_space<vmem>>, vector<1x10000x128xf32>
    %get3A_21 = vector.shape_cast %get3A_20 : vector<1x10000x128xf32> to vector<10000x128xf32>
    %add3A_22 = arith.addf %get3A_16, %get3A_21 : vector<10000x128xf32>
    %get3A_23 = arith.constant 0 : index
    %get3A_24 = arith.constant 0 : index
    %get3A_25 = vector.load %arg1[%get3A_23, %get3A_24] : memref<10000x128xf32, #tpu.memory_space<vmem>>, vector<10000x128xf32>
    %add3A_26 = arith.addf %add3A_22, %get3A_25 : vector<10000x128xf32>
    %mul3A = vector.broadcast %rsqrt3A : vector<10000x1xf32> to vector<10000x128xf32>
    %mul3A_27 = arith.mulf %add3A_26, %mul3A : vector<10000x128xf32>
    %get3A_28 = arith.constant 0 : index
    %get3A_29 = arith.constant 0 : index
    %get3A_30 = vector.load %arg3[%get3A_28, %get3A_29] : memref<1x128xf32, #tpu.memory_space<vmem>>, vector<1x128xf32>
    %add3A_31 = vector.broadcast %get3A_30 : vector<1x128xf32> to vector<10000x128xf32>
    %add3A_32 = arith.addf %mul3A_27, %add3A_31 : vector<10000x128xf32>
    %max3A = arith.constant 0.000000e+00 : f32
    %max3A_33 = vector.broadcast %max3A : f32 to vector<10000x128xf32>
    %max3A_34 = arith.maximumf %add3A_32, %max3A_33 : vector<10000x128xf32>
    %get3A_35 = arith.constant 0 : index
    %get3A_36 = arith.constant 0 : index
    %get3A_37 = vector.load %arg4[%get3A_35, %get3A_36] : memref<128x128xf32, #tpu.memory_space<vmem>>, vector<128x128xf32>
    %dot_general3A = arith.constant dense<0.000000e+00> : vector<10000x128xf32>
    %dot_general3A_38 = tpu.matmul %max3A_34, %get3A_37, %dot_general3A {dimension_numbers = #tpu.dot_dimension_numbers<[1], [0], [0], [1], [0, 0, 1, 1], [], []>, transpose_lhs_hint = false} : vector<10000x128xf32>, vector<128x128xf32>, vector<10000x128xf32> -> vector<10000x128xf32>
    %get3A_39 = arith.constant 0 : index
    %get3A_40 = arith.constant 0 : index
    %get3A_41 = vector.load %arg5[%get3A_39, %get3A_40] : memref<1x128xf32, #tpu.memory_space<vmem>>, vector<1x128xf32>
    %add3A_42 = vector.broadcast %get3A_41 : vector<1x128xf32> to vector<10000x128xf32>
    %add3A_43 = arith.addf %dot_general3A_38, %add3A_42 : vector<10000x128xf32>
    %swap3A = arith.constant 0 : index
    %swap3A_44 = arith.constant 0 : index
    %swap3A_45 = vector.load %arg6[%swap3A, %swap3A_44] : memref<10000x128xf32, #tpu.memory_space<vmem>>, vector<10000x128xf32>
    tpu.vector_store %arg6[%swap3A, %swap3A_44], %add3A_43 {strides = array<i32>} : memref<10000x128xf32, #tpu.memory_space<vmem>>, vector<10000x128xf32>,
    return
  }
}

</mosaic_0001>

<sc_bundles>
// kernel: kernel.11.cloned.1.call-start
scs
__scs_entry_jumppad:
0x0: {  	(pc) =	sbr.rel $0x88, $3  }
0x1: {  	(tag) =	ssettag $0x0;
	lr =	simm.s32 $0x1  }
0x2: {  	[smem:$0x3F99] =	sst lr;
	_ =	strace $0xD0000000  }
0x3: {  	_ = 	snop  }
0x4: {  	_ = 	snop  }
0x5: {  	_ = 	snop  }
0x6: {  	_ = 	snop  }
0x7: {  	_ = 	snop  }
__scs_overlays_trampoline_lowered:
0x8: {  	[smem:$0x3FA8] =	sst s0  }
0x9: {  	[smem:$0x3FA9] =	sst s1  }
0xa: {  	[smem:$0x3FAA] =	sst s2  }
0xb: {  	[smem:$0x3FAB] =	sst s3  }
0xc: {  	[smem:$0x3FAC] =	sst s4  }
0xd: {  	[smem:$0x3FAD] =	sst s5  }
0xe: {  	[smem:$0x3FAE] =	sst s6  }
0xf: {  	[smem:$0x3FAF] =	sst s7  }
0x10: {  	[smem:$0x3FB0] =	sst s8  }
0x11: {  	[smem:$0x3FB1] =	sst s9;
	s0 =	simm.s32 @!p0 $0x0  }
0x12: {  	s1 =	sld [smem:$0x3F97];
	s0 =	simm.s32 @p0 $0x1  }
0x13: {  	[smem:$0x3FB2] =	sst s0;
	s0 =	simm.s32 @!p1 $0x0  }
0x14: {  	s2 =	sld [smem:$0x3F96];
	s0 =	simm.s32 @p1 $0x1  }
0x15: {  	[smem:$0x3FB3] =	sst s0;
	s0 =	simm.s32 @!p2 $0x0  }
0x16: {  	s3 =	sld [smem:$0x3FDB];
	s0 =	simm.s32 @p2 $0x1  }
0x17: {  	s4 =	simm.s32 $0x1BF5;
	[smem:$0x3FB5] =	sst s0  }
0x18: {  	s0 =	sld [smem:$0x3F98];
	_ =	swait.ge [sflag:s4], $0x0  }
0x19: {  	s7 =	sld [smem:$0x3F99]  }
0x1a: {  	s8 =	sadd.s32 $0xFFFFE003, lr  }
0x1b: {  	s9 =	sadd.s32 $0xFFFFFEF7, lr;
	s5 =	simm.s32 $0xFFFFFFFF;
	p2 =	slt.u32 s8, $0xFFFFF086  }
0x1c: {  	p1 =	slt.u32 s9, $0xF7A;
	s5 =	simm.s32 @!p2 $0x0  }
0x1d: {  	s5 =	simm.s32 @p1 $0x1;
	p0 =	seq.s32 s7, s2  }
0x1e: {  	s7 =	smul.u32 @!p0 $0xF7A, s2;
	p2 =	seq.s32 @!p0 s5, $0x0  }
0x1f: {  	s9 =	smul.u32 $0xF7A, s1;
	s8 =	simm.s32 @!p0 $0x1BF5;
	p2 =	por !p2, p0  }
0x20: {  	[sflag:s8] =	ssyncset.s32 @!p0 $0xFFFFF086;
	s6 =	sadd.s32 @!p0 s3, s7;
	s7 =	simm.s32 @!p0 $0x108  }
0x21: {  	s3 =	sadd.s32 s3, s9;
	s6 =	sadd.s32 @!p0 $0x88, s6;
	s7 =	simm.s32 @p2 $0x1082  }
0x22: {  	[simem:s7], [sflag:s8] =	dma.local @!p0 [hbm:s6], $0xF7A  }
0x23: {  	s9 =	sor.u32 $0xD0000000, s2;
	s6 =	simm.s32 $0x108;
	_ =	swait.ge @!p0 [sflag:s8], $0x0  }
0x24: {  	s3 =	sadd.s32 $0x88, s3;
	s6 =	simm.s32 @!p1 $0x1082;
	[sflag:s4] =	ssyncset.s32 $0xFFFFF086  }
0x25: {  	[simem:s6], [sflag:s4] =	dma.local [hbm:s3], $0xF7A  }
0x26: {  	[smem:$0x3F99] =	sst s1;
	(tag) =	ssettag s2;
	_ =	strace s9  }
0x27: {  	s1 =	sld [smem:$0x3FA9]  }
0x28: {  	s2 =	sld [smem:$0x3FAA]  }
0x29: {  	s4 =	sld [smem:$0x3FAC]  }
0x2a: {  	p0 =	seq.s32 s5, $0x0;
	s5 =	sld [smem:$0x3FAD]  }
0x2b: {  	s6 =	sld [smem:$0x3FAE]  }
0x2c: {  	s7 =	sld [smem:$0x3FAF]  }
0x2d: {  	s3 =	simm.s32 $0x108;
	s8 =	sld [smem:$0x3FB0]  }
0x2e: {  	s3 =	simm.s32 @!p0 $0x1082;
	s9 =	sld [smem:$0x3FB1]  }
0x2f: {  	lr =	sadd.s32 s0, s3;
	s0 =	sld [smem:$0x3FA8]  }
0x30: {  	s3 =	sld [smem:$0x3FAB]  }
0x31: {  	[smem:$0x3FB4] =	sst s10  }
0x32: {  	s10 =	sld [smem:$0x3FB2];
	_ =	sdelay $0x3  }
0x33: {  	p0 =	seq.s32 s10, $0x1;
	s10 =	sld [smem:$0x3FB4];
	_ =	sdelay $0x3  }
0x34: {  	[smem:$0x3FB4] =	sst s10  }
0x35: {  	s10 =	sld [smem:$0x3FB3];
	_ =	sdelay $0x3  }
0x36: {  	p1 =	seq.s32 s10, $0x1;
	s10 =	sld [smem:$0x3FB4];
	_ =	sdelay $0x3  }
0x37: {  	[smem:$0x3FB4] =	sst s10  }
0x38: {  	s10 =	sld [smem:$0x3FB5]  }
0x39: {  	_ = 	snop;
	(pc) =	sbr.ind lr, $3  }
0x3a: {  	_ = 	snop  }
0x3b: {  	_ = 	snop  }
0x3c: {  	p2 =	seq.s32 s10, $0x1;
	s10 =	sld [smem:$0x3FB4]  }
0x3d: {  	_ =	shalt  }
0x3e: {  	_ =	shalt  }
0x3f: {  	_ =	shalt  }
0x40: {  	_ =	shalt  }
0x41: {  	_ =	shalt  }
0x42: {  	_ =	shalt  }
0x43: {  	_ =	shalt  }
0x44: {  	_ =	shalt  }
0x45: {  	_ =	shalt  }
0x46: {  	_ =	shalt  }
0x47: {  	_ =	shalt  }
0x48: {  	_ =	shalt  }
0x49: {  	_ =	shalt  }
0x4a: {  	_ =	shalt  }
0x4b: {  	_ =	shalt  }
0x4c: {  	_ =	shalt  }
0x4d: {  	_ =	shalt  }
0x4e: {  	_ =	shalt  }
0x4f: {  	_ =	shalt  }
0x50: {  	_ =	shalt  }
0x51: {  	_ =	shalt  }
0x52: {  	_ =	shalt  }
0x53: {  	_ =	shalt  }
0x54: {  	_ =	shalt  }
0x55: {  	_ =	shalt  }
0x56: {  	_ =	shalt  }
0x57: {  	_ =	shalt  }
0x58: {  	_ =	shalt  }
0x59: {  	_ =	shalt  }
0x5a: {  	_ =	shalt  }
0x5b: {  	_ =	shalt  }
0x5c: {  	_ =	shalt  }
0x5d: {  	_ =	shalt  }
0x5e: {  	_ =	shalt  }
0x5f: {  	_ =	shalt  }
0x60: {  	_ =	shalt  }
0x61: {  	_ =	shalt  }
0x62: {  	_ =	shalt  }
0x63: {  	_ =	shalt  }
0x64: {  	_ =	shalt  }
0x65: {  	_ =	shalt  }
0x66: {  	_ =	shalt  }
0x67: {  	_ =	shalt  }
0x68: {  	_ =	shalt  }
0x69: {  	_ =	shalt  }
0x6a: {  	_ =	shalt  }
0x6b: {  	_ =	shalt  }
0x6c: {  	_ =	shalt  }
0x6d: {  	_ =	shalt  }
0x6e: {  	_ =	shalt  }
0x6f: {  	_ =	shalt  }
0x70: {  	_ =	shalt  }
0x71: {  	_ =	shalt  }
0x72: {  	_ =	shalt  }
0x73: {  	_ =	shalt  }
0x74: {  	_ =	shalt  }
0x75: {  	_ =	shalt  }
0x76: {  	_ =	shalt  }
0x77: {  	_ =	shalt  }
0x78: {  	_ =	shalt  }
0x79: {  	_ =	shalt  }
0x7a: {  	_ =	shalt  }
0x7b: {  	_ =	shalt  }
0x7c: {  	_ =	shalt  }
0x7d: {  	_ =	shalt  }
0x7e: {  	_ =	shalt  }
0x7f: {  	_ =	shalt  }
0x80: {  	_ =	shalt  }
0x81: {  	_ =	shalt  }
0x82: {  	_ =	shalt  }
0x83: {  	_ =	shalt  }
0x84: {  	_ =	shalt  }
0x85: {  	_ =	shalt  }
0x86: {  	_ =	shalt  }
0x87: {  	_ =	shalt  }
.Lfunc_end0:
.L_simem_size_0:
called_computation.1_lowered:
.L_overlay_start_0:
0x88: {  	s2 =	sld [smem:$0x3FD9]  }
0x89: {  	s3 =	sld [smem:$0x3FFE];
	_ =	sdelay $0x1  }
0x8a: {  	s1 =	srdreg.scid  }
0x8b: {  	s0 =	sand.u32 $0x1, s1  }
0x8c: {  	s16 =	sshll.u32 s0, $0xA;
	s2 =	sadd.s32 s3, s2  }
0x8d: {  	s2 =	sadd.s32 s2, s16  }
0x8e: {  	[smem:$0x3FC0] =	sst s2  }
0x8f: {  	_ = 	snop  }
0x90: {  	(tm) =	ssettm $0x1  }
0x91: {  	s17 =	sld [smem:$0x3FFB];
	_ =	sdelay $0x3  }
0x92: {  	_ =	strace s17  }
0x93: {  	s2 =	sld [smem:$0x3FFC];
	_ =	sdelay $0x3  }
0x94: {  	_ =	strace s2  }
0x95: {  	s2 =	sld [smem:$0x3FFD];
	_ =	sdelay $0x3  }
0x96: {  	_ =	strace s2  }
0x97: {  	_ =	strace $0x8FFFFFFF  }
0x98: {  	s18 =	sld [smem:$0x3FDB];
	_ =	sdelay $0x1  }
0x99: {  	s19 =	simm.s32 $_scs_section_size  }
0x9a: {  	s4 =	simm.s32 $_size__tile_overlayer_lowered;
	s5 =	simm.s32 $_tile_overlayer_lowered  }
0x9b: {  	s22 =	simm.s32 $0x1BFF;
	s21 =	sshll.u32 s5, $0x1;
	s2 =	sadd.s32 s19, s18  }
0x9c: {  	s6 =	simm.s32 $0x0;
	s20 =	sshll.u32 s4, $0x1;
	s4 =	sadd.s32 s21, s2  }
0x9d: {  	[timem:s6], [sflag:s22] =	dma.local [hbm:s4], s20  }
0x9e: {  	_ =	swait.ge [sflag:s22], s20  }
0x9f: {  	s3 =	ssub.s32 $0x0, s20;
	[sflag:s22] =	ssyncset.done $0x0  }
0xa0: {  	[sflag:s22] =	ssyncadd.s32 s3;
	_ =	sdelay $0x1  }
0xa1: {  	s23 =	simm.s32 $0x1B8B  }
0xa2: {  	_ =	swait.ge [sflag:s23], $0x1  }
0xa3: {  	[sflag:s23] =	ssyncset.done $0x0  }
0xa4: {  	s25 =	simm.s32 $0x1B8E;
	s24 =	sld [smem:$0x3FFE];
	[sflag:s23] =	ssyncadd.s32 $0xFFFFFFFF  }
0xa5: {  	s26 =	simm.s32 $execute0_lowered;
	[smem:$0x3FD2] =	sst s25  }
0xa6: {  	s4 =	sshll.u32 s26, $0x1;
	_ =	strace $0x80000049;
	[dreg:$0x1] =	wrdreg $0xFFFFFFFF  }
0xa7: {  	s28 =	simm.s32 $_size_execute0_lowered;
	s2 =	sadd.s32 s2, s4;
	[dreg:$0x0] =	wrdreg $0x0  }
0xa8: {  	s4 =	sshll.u32 s28, $0x1;
	[dreg:$0x2] =	wrdreg s2  }
0xa9: {  	[dreg:$0x3] =	wrdreg s4  }
0xaa: {  	[dreg:$0x4] =	wrdreg $0xC0  }
0xab: {  	_ =	task [dreg:s6], $0x5FFFF  }
0xac: {  	[dreg:$0x1] =	wrdreg $0xFFFFFFFF  }
0xad: {  	[dreg:$0x0] =	wrdreg $0x60  }
0xae: {  	[dreg:$0x2] =	wrdreg s24  }
0xaf: {  	[dreg:$0x3] =	wrdreg $0x41000  }
0xb0: {  	[dreg:$0x4] =	wrdreg $0x9  }
0xb1: {  	_ =	task.clear_ibuf [dreg:s6], $0x5FFFF;
	_ =	strace $0x90000049  }
0xb2: {  	s29 =	simm.s32 $0x9;
	_ =	strace $0x8000004B  }
0xb3: {  	_ =	swait.ge [sflag:s29], $0x1  }
0xb4: {  	[sflag:s29] =	ssyncadd.s32 $0xFFFFFFFF  }
0xb5: {  	_ =	strace $0x9000004B  }
0xb6: {  	_ =	sfence  }
0xb7: {  	s30 =	sld [smem:$0x0];
	_ =	sdelay $0x2  }
0xb8: {  	s31 =	sshll.u32 s1, $0xD;
	s1 =	sshrl.u32 s1, $0x2  }
0xb9: {  	s3 =	sand.u32 $0x4000, s31;
	s1 =	sadd.s32 s1, s30  }
0xba: {  	s0 =	sor.u32 s3, s0;
	s1 =	sshll.u32 s1, $0x11  }
0xbb: {  	s0 =	sor.u32 s1, s0  }
0xbc: {  	s0 =	sadd.s32 $0x8F2B, s0  }
0xbd: {  	[sflag:s0] =	ssyncadd.remote.s32 $0x1  }
0xbe: {  	_ =	sfence.sel $0xFFFF  }
0xbf: {  	[dreg:$0x0] =	wrdreg $0xFFFFFFFF;
	(pc) =	sbr.abs _section_cstart, $3  }
0xc0: {  	[dreg:$0x1] =	wrdreg $0xFFFFFFFF  }
0xc1: {  	_ =	task.clear_ibuf [dreg:s6], $0x2FFFF;
	_ =	strace $0x9FFFFFFF  }
0xc2: {  	(tm) =	ssettm $0x7FFFFFFF  }
0xc3: {  	_ =	shalt  }
tec
execute0_lowered:
.L_overlay_start_1:
0x0: {  	(tag) =	ssettag $0x1  }
0x1: {  	s8 =	rddreg [dreg:$0x0]  }
0x2: {  	s1 =	rddreg [dreg:$0x1]  }
0x3: {  	s0 =	rddreg [dreg:$0x2]  }
0x4: {  	s2 =	simm.s32 $0x0;
	s7 =	srdreg.scid;
	s3 =	stileid.u32  }
0x5: {  	s23 =	simm.s32 $0x1;
	s24 =	simm.s32 $0x0;
	[smem:$0x7FF] =	sst s2  }
0x6: {  	s4 =	sadd.s32 $0x66800, s8;
	s5 =	sadd.s32 $0x5C800, s8;
	s6 =	sadd.s32 $0x2000, s8  }
0x7: {  	s9 =	sand.u32 $0x1, s7;
	s7 =	sadd.s32 $0xC000, s8;
	s11 =	smul.u32 $0x50000, s3  }
0x8: {  	s18 =	sadd.s32 $0x8DA00, s8;
	s12 =	smul.u32 $0x14000, s3;
	_ =	strace $0x8000004A  }
0x9: {  	s10 =	ssub.s32 $0x2, s9;
	s30 =	sshll.u32 s9, $0x4;
	s20 =	smul.u32 $0x140000, s9  }
0xa: {  	s29 =	sshrl.u32 s10, $0x1;
	s31 =	sshrl.u32 s11, $0x2;
	s13 =	sor.u32 s3, s30  }
0xb: {  	s14 =	sadd.s32 $0x4000, s12;
	s16 =	sadd.s32 $0x8000, s12;
	s17 =	sadd.s32 $0xC000, s12  }
0xc: {  	s21 =	sadd.s32 $0x10000, s12;
	s19 =	ssub.s32 s10, s29;
	s8 =	sadd.s32 s31, s1  }
0xd: {  	s9 =	sadd.s32 s14, s1;
	s10 =	sadd.s32 s16, s1;
	s11 =	sadd.s32 s17, s1  }
0xe: {  	s15 =	sadd.s32 s12, s20;
	s14 =	sadd.s32 s20, s14;
	s12 =	sadd.s32 s21, s1  }
0xf: {  	s13 =	smul.u32 $0x2800, s13;
	s16 =	sadd.s32 s20, s16;
	s17 =	sadd.s32 s20, s17  }
0x10: {  	s20 =	sadd.s32 s20, s21;
	s21 =	simm.s32 $0x2;
	s15 =	sshrl.u32 s15, $0x3  }
0x11: {  	s22 =	sshrl.u32 s14, $0x3;
	s16 =	sshrl.u32 s16, $0x3;
	s17 =	sshrl.u32 s17, $0x3  }
0x12: {  	s20 =	sshrl.u32 s20, $0x3;
	s19 =	smax.u32 s19, $0x1;
	s14 =	sadd.s32 s18, s15  }
0x13: {  	s15 =	sadd.s32 s18, s22;
	s16 =	sadd.s32 s18, s16;
	s17 =	sadd.s32 s18, s17  }
0x14: {  	s18 =	sadd.s32 s18, s20;
	s20 =	simm.s32 $0x100;
	s22 =	simm.s32 $0x80  }
.LBB2_1:
0x15: {  	[tilespmem:s20], [sflag:$0x2] =	stream.linear.gather [hbm4b:s7+s2], $0x4000, $0x38;
	[tilespmem:$0x18100] =	vst v63  }
0x16: {  	_ =	swait.ge [sflag:s21], $0x4000  }
0x17: {  	[sflag:s21] =	ssyncset.done $0x0  }
0x18: {  	[sflag:s21] =	ssyncadd.s32 $0xFFFFC000  }
0x19: {  	[spmem:s8] =	stream.linear.scatter [tilespmem:s20], [sflag:$0x2], $0x4000, $0x38;
	[tilespmem:$0x18100] =	vst v63  }
0x1a: {  	_ =	swait.ge [sflag:s21], $0x4000  }
0x1b: {  	[sflag:s21] =	ssyncset.done $0x0  }
0x1c: {  	[sflag:s21] =	ssyncadd.s32 $0xFFFFC000  }
0x1d: {  	[spmem:s9] =	stream.linear.scatter [tilespmem:s20], [sflag:$0x2], $0x4000, $0x38;
	[tilespmem:$0x18100] =	vst v63  }
0x1e: {  	_ =	swait.ge [sflag:s21], $0x4000  }
0x1f: {  	[sflag:s21] =	ssyncset.done $0x0  }
0x20: {  	[sflag:s21] =	ssyncadd.s32 $0xFFFFC000  }
0x21: {  	[spmem:s10] =	stream.linear.scatter [tilespmem:s20], [sflag:$0x2], $0x4000, $0x38;
	[tilespmem:$0x18100] =	vst v63  }
0x22: {  	_ =	swait.ge [sflag:s21], $0x4000  }
0x23: {  	[sflag:s21] =	ssyncset.done $0x0  }
0x24: {  	[sflag:s21] =	ssyncadd.s32 $0xFFFFC000  }
0x25: {  	[spmem:s11] =	stream.linear.scatter [tilespmem:s20], [sflag:$0x2], $0x4000, $0x38;
	[tilespmem:$0x18100] =	vst v63  }
0x26: {  	_ =	swait.ge [sflag:s21], $0x4000  }
0x27: {  	[sflag:s21] =	ssyncset.done $0x0  }
0x28: {  	s25 =	sand.u32 $0x3C00, s2;
	[sflag:s21] =	ssyncadd.s32 $0xFFFFC000  }
0x29: {  	[spmem:s12] =	stream.linear.scatter [tilespmem:s20], [sflag:$0x2], $0x4000, $0x38;
	[tilespmem:$0x18100] =	vst v63  }
0x2a: {  	s26 =	sand.u32 $0x380, s2;
	s25 =	sadd.s32 s13, s25;
	_ =	swait.ge [sflag:s21], $0x4000  }
0x2b: {  	s25 =	sor.u32 s26, s25;
	[sflag:s21] =	ssyncset.done $0x0  }
0x2c: {  	s25 =	sshrl.u32 s25, $0x3;
	[sflag:s21] =	ssyncadd.s32 $0xFFFFC000  }
0x2d: {  	s29 =	sadd.s32 s5, s25;
	[bflag:$0x0] =	sbarrier.arrive $0xFFFF  }
0x2e: {  	[tilespmem:s2], [sflag:$0x2] =	stream.linear.gather [hbm4b:s29+s2], $0x80, $0x38;
	[tilespmem:$0x18100] =	vst v63  }
0x2f: {  	_ =	swait.ge [sflag:s21], $0x80  }
0x30: {  	[sflag:s21] =	ssyncset.done $0x0  }
0x31: {  	s25 =	sadd.s32 s6, s25;
	[sflag:s21] =	ssyncadd.s32 $0xFFFFFF80  }
0x32: {  	[tilespmem:s22], [sflag:$0x2] =	stream.linear.gather [hbm4b:s25+s2], $0x80, $0x38;
	[tilespmem:$0x18100] =	vst v63  }
0x33: {  	_ =	swait.ge [sflag:s21], $0x80  }
0x34: {  	[sflag:s21] =	ssyncset.done $0x0  }
0x35: {  	[sflag:s21] =	ssyncadd.s32 $0xFFFFFF80  }
0x36: {  	[tilespmem:s20], [sflag:$0x1] =	stream.indirect.gather [hbm4b:s4+s22], $0x80, s2, s22, $0xb8;
	[tilespmem:$0x18100] =	vst v63  }
0x37: {  	_ =	swait.ge [sflag:s23], $0x4000  }
0x38: {  	s30 =	simm.s32 $0x80;
	[sflag:s23] =	ssyncset.done $0x0  }
0x39: {  	s31 =	sand.u32 $0x3C00, s30;
	[sflag:s23] =	ssyncadd.s32 $0xFFFFC000  }
0x3a: {  	[spmem:s1] =	stream.indirect.scatter.add.f32 [tilespmem:s20], [sflag:$0x2], $0x80, s22, s22, $0xb8;
	[tilespmem:$0x18100] =	vst v63  }
0x3b: {  	s28 =	sand.u32 $0x380, s30;
	s26 =	sadd.s32 s13, s31;
	_ =	swait.ge [sflag:s21], $0x4000  }
0x3c: {  	s26 =	sor.u32 s28, s26;
	s25 =	simm.s32 $0x100;
	[sflag:s21] =	ssyncset.done $0x0  }
.LBB2_2:
0x3d: {  	s26 =	sshrl.u32 s26, $0x3  }
0x3e: {  	[sflag:s21] =	ssyncadd.s32 $0xFFFFC000;
	s28 =	smov.u32 s25;
	s29 =	sadd.s32 $0x80, s25  }
0x3f: {  	p0 =	sne.s32 s25, $0x2700;
	s25 =	sadd.s32 s5, s26  }
0x40: {  	[tilespmem:s2], [sflag:$0x2] =	stream.linear.gather [hbm4b:s25+s2], $0x80, $0x38;
	[tilespmem:$0x18100] =	vst v63  }
0x41: {  	_ =	swait.ge [sflag:s21], $0x80  }
0x42: {  	[sflag:s21] =	ssyncset.done $0x0  }
0x43: {  	s25 =	sadd.s32 s6, s26;
	[sflag:s21] =	ssyncadd.s32 $0xFFFFFF80  }
0x44: {  	[tilespmem:s22], [sflag:$0x2] =	stream.linear.gather [hbm4b:s25+s2], $0x80, $0x38;
	[tilespmem:$0x18100] =	vst v63  }
0x45: {  	_ =	swait.ge [sflag:s21], $0x80  }
0x46: {  	[sflag:s21] =	ssyncset.done $0x0  }
0x47: {  	[sflag:s21] =	ssyncadd.s32 $0xFFFFFF80  }
0x48: {  	[tilespmem:s20], [sflag:$0x1] =	stream.indirect.gather [hbm4b:s4+s22], $0x80, s2, s22, $0xb8;
	[tilespmem:$0x18100] =	vst v63  }
0x49: {  	_ =	swait.ge [sflag:s23], $0x4000  }
.Ltmp0:
0x4a: {  	[sflag:s23] =	ssyncset.done $0x0;
	(pc) =	sbr.rel @p0 .LBB2_2-.Ltmp0, $4  }
0x4b: {  	s25 =	sand.u32 $0x3C00, s28;
	[sflag:s23] =	ssyncadd.s32 $0xFFFFC000  }
0x4c: {  	[spmem:s1] =	stream.indirect.scatter.add.f32 [tilespmem:s20], [sflag:$0x2], $0x80, s22, s22, $0xb8;
	[tilespmem:$0x18100] =	vst v63  }
0x4d: {  	s26 =	sand.u32 $0x380, s28;
	s25 =	sadd.s32 s13, s25;
	_ =	swait.ge [sflag:s21], $0x4000  }
0x4e: {  	s26 =	sor.u32 s26, s25;
	s25 =	smov.u32 s29;
	[sflag:s21] =	ssyncset.done $0x0  }
0x4f: {  	s25 =	sshrl.u32 s26, $0x3  }
0x50: {  	[sflag:s21] =	ssyncadd.s32 $0xFFFFC000;
	s26 =	sadd.s32 s5, s25  }
0x51: {  	[tilespmem:s2], [sflag:$0x2] =	stream.linear.gather [hbm4b:s26+s2], $0x80, $0x38;
	[tilespmem:$0x18100] =	vst v63  }
0x52: {  	_ =	swait.ge [sflag:s21], $0x80  }
0x53: {  	[sflag:s21] =	ssyncset.done $0x0  }
0x54: {  	s25 =	sadd.s32 s6, s25;
	[sflag:s21] =	ssyncadd.s32 $0xFFFFFF80  }
0x55: {  	[tilespmem:s22], [sflag:$0x2] =	stream.linear.gather [hbm4b:s25+s2], $0x80, $0x38;
	[tilespmem:$0x18100] =	vst v63  }
0x56: {  	_ =	swait.ge [sflag:s21], $0x80  }
0x57: {  	[sflag:s21] =	ssyncset.done $0x0  }
0x58: {  	[sflag:s21] =	ssyncadd.s32 $0xFFFFFF80  }
0x59: {  	[tilespmem:s20], [sflag:$0x1] =	stream.indirect.gather [hbm4b:s4+s22], $0x80, s2, s22, $0xb8;
	[tilespmem:$0x18100] =	vst v63  }
0x5a: {  	_ =	swait.ge [sflag:s23], $0x4000  }
0x5b: {  	[sflag:s23] =	ssyncset.done $0x0  }
0x5c: {  	[sflag:s23] =	ssyncadd.s32 $0xFFFFC000  }
0x5d: {  	[spmem:s1] =	stream.indirect.scatter.add.f32 [tilespmem:s20], [sflag:$0x2], $0x80, s22, s22, $0xb8;
	[tilespmem:$0x18100] =	vst v63  }
0x5e: {  	_ =	swait.ge [sflag:s21], $0x4000  }
0x5f: {  	[sflag:s21] =	ssyncset.done $0x0  }
0x60: {  	[sflag:s21] =	ssyncadd.s32 $0xFFFFC000  }
0x61: {  	[bflag:$0x0] =	sbarrier.arrive $0xFFFF  }
0x62: {  	[tilespmem:s20], [sflag:$0x2] =	stream.linear.gather [spmem:s8], $0x4000, $0x38;
	[tilespmem:$0x18100] =	vst v63  }
0x63: {  	_ =	swait.ge [sflag:s21], $0x4000  }
0x64: {  	[sflag:s21] =	ssyncset.done $0x0  }
0x65: {  	[sflag:s21] =	ssyncadd.s32 $0xFFFFC000  }
0x66: {  	[hbm4b:s14+s2] =	stream.linear.scatter [tilespmem:s20], [sflag:$0x2], $0x4000, $0x38;
	[tilespmem:$0x18100] =	vst v63  }
0x67: {  	_ =	swait.ge [sflag:s21], $0x4000  }
0x68: {  	[sflag:s21] =	ssyncset.done $0x0  }
0x69: {  	[sflag:s21] =	ssyncadd.s32 $0xFFFFC000  }
0x6a: {  	[tilespmem:s20], [sflag:$0x2] =	stream.linear.gather [spmem:s9], $0x4000, $0x38;
	[tilespmem:$0x18100] =	vst v63  }
0x6b: {  	_ =	swait.ge [sflag:s21], $0x4000  }
0x6c: {  	[sflag:s21] =	ssyncset.done $0x0  }
0x6d: {  	[sflag:s21] =	ssyncadd.s32 $0xFFFFC000  }
0x6e: {  	[hbm4b:s15+s2] =	stream.linear.scatter [tilespmem:s20], [sflag:$0x2], $0x4000, $0x38;
	[tilespmem:$0x18100] =	vst v63  }
0x6f: {  	_ =	swait.ge [sflag:s21], $0x4000  }
0x70: {  	[sflag:s21] =	ssyncset.done $0x0  }
0x71: {  	[sflag:s21] =	ssyncadd.s32 $0xFFFFC000  }
0x72: {  	[tilespmem:s20], [sflag:$0x2] =	stream.linear.gather [spmem:s10], $0x4000, $0x38;
	[tilespmem:$0x18100] =	vst v63  }
0x73: {  	_ =	swait.ge [sflag:s21], $0x4000  }
0x74: {  	[sflag:s21] =	ssyncset.done $0x0  }
0x75: {  	[sflag:s21] =	ssyncadd.s32 $0xFFFFC000  }
0x76: {  	[hbm4b:s16+s2] =	stream.linear.scatter [tilespmem:s20], [sflag:$0x2], $0x4000, $0x38;
	[tilespmem:$0x18100] =	vst v63  }
0x77: {  	_ =	swait.ge [sflag:s21], $0x4000  }
0x78: {  	[sflag:s21] =	ssyncset.done $0x0  }
0x79: {  	[sflag:s21] =	ssyncadd.s32 $0xFFFFC000  }
0x7a: {  	[tilespmem:s20], [sflag:$0x2] =	stream.linear.gather [spmem:s11], $0x4000, $0x38;
	[tilespmem:$0x18100] =	vst v63  }
0x7b: {  	_ =	swait.ge [sflag:s21], $0x4000  }
0x7c: {  	[sflag:s21] =	ssyncset.done $0x0  }
0x7d: {  	[sflag:s21] =	ssyncadd.s32 $0xFFFFC000  }
0x7e: {  	[hbm4b:s17+s2] =	stream.linear.scatter [tilespmem:s20], [sflag:$0x2], $0x4000, $0x38;
	[tilespmem:$0x18100] =	vst v63  }
0x7f: {  	_ =	swait.ge [sflag:s21], $0x4000  }
0x80: {  	[sflag:s21] =	ssyncset.done $0x0  }
0x81: {  	[sflag:s21] =	ssyncadd.s32 $0xFFFFC000  }
0x82: {  	[tilespmem:s20], [sflag:$0x2] =	stream.linear.gather [spmem:s12], $0x4000, $0x38;
	[tilespmem:$0x18100] =	vst v63  }
0x83: {  	s24 =	sadd.s32 $0x1, s24;
	_ =	swait.ge [sflag:s21], $0x4000  }
0x84: {  	p0 =	sne.s32 s24, s19;
	[sflag:s21] =	ssyncset.done $0x0  }
.Ltmp1:
0x85: {  	[sflag:s21] =	ssyncadd.s32 $0xFFFFC000;
	(pc) =	sbr.rel @p0 .LBB2_1-.Ltmp1, $4  }
0x86: {  	[hbm4b:s18+s2] =	stream.linear.scatter [tilespmem:s20], [sflag:$0x2], $0x4000, $0x38;
	[tilespmem:$0x18100] =	vst v63  }
0x87: {  	_ =	swait.ge [sflag:s21], $0x4000  }
0x88: {  	[sflag:s21] =	ssyncset.done $0x0  }
0x89: {  	[sflag:s21] =	ssyncadd.s32 $0xFFFFC000  }
0x8a: {  	_ =	sfence.sel $0x180000  }
0x8b: {  	[bflag:$0x0] =	sbarrier.arrive $0xFFFF  }
0x8c: {  	p0 =	sne.s32 s3, $0x0;
	_ =	strace $0x9000004A  }
0x8d: {  	s0 =	sadd.s32 @!p0 $0x100000, s0;
	[bflag:$0x2] =	sbarrier.arrive $0xFFFF  }
0x8e: {  	[sflag:s0] =	ssyncadd.tile.s32 @!p0 $0x1;
	_ =	shalt  }
.Lfunc_end2:
_tile_overlayer_lowered:
.L_overlay_start_2:
0x8f: {  	(tag) =	ssettag $0x2  }
0x90: {  	s0 =	rddreg [dreg:$0x0];
	s2 =	stileid.u32  }
0x91: {  	s1 =	rddreg [dreg:$0x1];
	p0 =	sne.s32 s2, $0x0  }
0x92: {  	s3 =	rddreg [dreg:$0x2];
	[bflag:$0x3] =	sbarrier.arrive $0xFFFF;
	s2 =	simm.s32 @!p0 $0x1C02  }
0x93: {  	[timem:s3], [sflag:s2] =	dma.local @!p0 [hbm:s0], s1  }
0x94: {  	s0 =	simm.s32 @!p0 $0x2  }
0x95: {  	_ =	swait.ge @!p0 [sflag:s0], s1  }
0x96: {  	s1 =	ssub.s32 @!p0 $0x0, s1;
	[sflag:s0] =	ssyncset.done @!p0 $0x0  }
0x97: {  	[sflag:s0] =	ssyncadd.s32 @!p0 s1  }
0x98: {  	[bflag:$0x3] =	sbarrier.arrive $0xFFFF  }
0x99: {  	_ =	shalt  }

// kernel: kernel.14.cloned.1.call-start
scs
__scs_entry_jumppad:
0x0: {  	(pc) =	sbr.rel $0x88, $3  }
0x1: {  	(tag) =	ssettag $0x0;
	lr =	simm.s32 $0x1  }
0x2: {  	[smem:$0x3F99] =	sst lr;
	_ =	strace $0xD0000000  }
0x3: {  	_ = 	snop  }
0x4: {  	_ = 	snop  }
0x5: {  	_ = 	snop  }
0x6: {  	_ = 	snop  }
0x7: {  	_ = 	snop  }
__scs_overlays_trampoline_lowered:
0x8: {  	[smem:$0x3FA8] =	sst s0  }
0x9: {  	[smem:$0x3FA9] =	sst s1  }
0xa: {  	[smem:$0x3FAA] =	sst s2  }
0xb: {  	[smem:$0x3FAB] =	sst s3  }
0xc: {  	[smem:$0x3FAC] =	sst s4  }
0xd: {  	[smem:$0x3FAD] =	sst s5  }
0xe: {  	[smem:$0x3FAE] =	sst s6  }
0xf: {  	[smem:$0x3FAF] =	sst s7  }
0x10: {  	[smem:$0x3FB0] =	sst s8  }
0x11: {  	[smem:$0x3FB1] =	sst s9;
	s0 =	simm.s32 @!p0 $0x0  }
0x12: {  	s1 =	sld [smem:$0x3F97];
	s0 =	simm.s32 @p0 $0x1  }
0x13: {  	[smem:$0x3FB2] =	sst s0;
	s0 =	simm.s32 @!p1 $0x0  }
0x14: {  	s2 =	sld [smem:$0x3F96];
	s0 =	simm.s32 @p1 $0x1  }
0x15: {  	[smem:$0x3FB3] =	sst s0;
	s0 =	simm.s32 @!p2 $0x0  }
0x16: {  	s3 =	sld [smem:$0x3FDB];
	s0 =	simm.s32 @p2 $0x1  }
0x17: {  	s4 =	simm.s32 $0x1BF5;
	[smem:$0x3FB5] =	sst s0  }
0x18: {  	s0 =	sld [smem:$0x3F98];
	_ =	swait.ge [sflag:s4], $0x0  }
0x19: {  	s7 =	sld [smem:$0x3F99]  }
0x1a: {  	s8 =	sadd.s32 $0xFFFFE003, lr  }
0x1b: {  	s9 =	sadd.s32 $0xFFFFFEF7, lr;
	s5 =	simm.s32 $0xFFFFFFFF;
	p2 =	slt.u32 s8, $0xFFFFF086  }
0x1c: {  	p1 =	slt.u32 s9, $0xF7A;
	s5 =	simm.s32 @!p2 $0x0  }
0x1d: {  	s5 =	simm.s32 @p1 $0x1;
	p0 =	seq.s32 s7, s2  }
0x1e: {  	s7 =	smul.u32 @!p0 $0xF7A, s2;
	p2 =	seq.s32 @!p0 s5, $0x0  }
0x1f: {  	s9 =	smul.u32 $0xF7A, s1;
	s8 =	simm.s32 @!p0 $0x1BF5;
	p2 =	por !p2, p0  }
0x20: {  	[sflag:s8] =	ssyncset.s32 @!p0 $0xFFFFF086;
	s6 =	sadd.s32 @!p0 s3, s7;
	s7 =	simm.s32 @!p0 $0x108  }
0x21: {  	s3 =	sadd.s32 s3, s9;
	s6 =	sadd.s32 @!p0 $0x88, s6;
	s7 =	simm.s32 @p2 $0x1082  }
0x22: {  	[simem:s7], [sflag:s8] =	dma.local @!p0 [hbm:s6], $0xF7A  }
0x23: {  	s9 =	sor.u32 $0xD0000000, s2;
	s6 =	simm.s32 $0x108;
	_ =	swait.ge @!p0 [sflag:s8], $0x0  }
0x24: {  	s3 =	sadd.s32 $0x88, s3;
	s6 =	simm.s32 @!p1 $0x1082;
	[sflag:s4] =	ssyncset.s32 $0xFFFFF086  }
0x25: {  	[simem:s6], [sflag:s4] =	dma.local [hbm:s3], $0xF7A  }
0x26: {  	[smem:$0x3F99] =	sst s1;
	(tag) =	ssettag s2;
	_ =	strace s9  }
0x27: {  	s1 =	sld [smem:$0x3FA9]  }
0x28: {  	s2 =	sld [smem:$0x3FAA]  }
0x29: {  	s4 =	sld [smem:$0x3FAC]  }
0x2a: {  	p0 =	seq.s32 s5, $0x0;
	s5 =	sld [smem:$0x3FAD]  }
0x2b: {  	s6 =	sld [smem:$0x3FAE]  }
0x2c: {  	s7 =	sld [smem:$0x3FAF]  }
0x2d: {  	s3 =	simm.s32 $0x108;
	s8 =	sld [smem:$0x3FB0]  }
0x2e: {  	s3 =	simm.s32 @!p0 $0x1082;
	s9 =	sld [smem:$0x3FB1]  }
0x2f: {  	lr =	sadd.s32 s0, s3;
	s0 =	sld [smem:$0x3FA8]  }
0x30: {  	s3 =	sld [smem:$0x3FAB]  }
0x31: {  	[smem:$0x3FB4] =	sst s10  }
0x32: {  	s10 =	sld [smem:$0x3FB2];
	_ =	sdelay $0x3  }
0x33: {  	p0 =	seq.s32 s10, $0x1;
	s10 =	sld [smem:$0x3FB4];
	_ =	sdelay $0x3  }
0x34: {  	[smem:$0x3FB4] =	sst s10  }
0x35: {  	s10 =	sld [smem:$0x3FB3];
	_ =	sdelay $0x3  }
0x36: {  	p1 =	seq.s32 s10, $0x1;
	s10 =	sld [smem:$0x3FB4];
	_ =	sdelay $0x3  }
0x37: {  	[smem:$0x3FB4] =	sst s10  }
0x38: {  	s10 =	sld [smem:$0x3FB5]  }
0x39: {  	_ = 	snop;
	(pc) =	sbr.ind lr, $3  }
0x3a: {  	_ = 	snop  }
0x3b: {  	_ = 	snop  }
0x3c: {  	p2 =	seq.s32 s10, $0x1;
	s10 =	sld [smem:$0x3FB4]  }
0x3d: {  	_ =	shalt  }
0x3e: {  	_ =	shalt  }
0x3f: {  	_ =	shalt  }
0x40: {  	_ =	shalt  }
0x41: {  	_ =	shalt  }
0x42: {  	_ =	shalt  }
0x43: {  	_ =	shalt  }
0x44: {  	_ =	shalt  }
0x45: {  	_ =	shalt  }
0x46: {  	_ =	shalt  }
0x47: {  	_ =	shalt  }
0x48: {  	_ =	shalt  }
0x49: {  	_ =	shalt  }
0x4a: {  	_ =	shalt  }
0x4b: {  	_ =	shalt  }
0x4c: {  	_ =	shalt  }
0x4d: {  	_ =	shalt  }
0x4e: {  	_ =	shalt  }
0x4f: {  	_ =	shalt  }
0x50: {  	_ =	shalt  }
0x51: {  	_ =	shalt  }
0x52: {  	_ =	shalt  }
0x53: {  	_ =	shalt  }
0x54: {  	_ =	shalt  }
0x55: {  	_ =	shalt  }
0x56: {  	_ =	shalt  }
0x57: {  	_ =	shalt  }
0x58: {  	_ =	shalt  }
0x59: {  	_ =	shalt  }
0x5a: {  	_ =	shalt  }
0x5b: {  	_ =	shalt  }
0x5c: {  	_ =	shalt  }
0x5d: {  	_ =	shalt  }
0x5e: {  	_ =	shalt  }
0x5f: {  	_ =	shalt  }
0x60: {  	_ =	shalt  }
0x61: {  	_ =	shalt  }
0x62: {  	_ =	shalt  }
0x63: {  	_ =	shalt  }
0x64: {  	_ =	shalt  }
0x65: {  	_ =	shalt  }
0x66: {  	_ =	shalt  }
0x67: {  	_ =	shalt  }
0x68: {  	_ =	shalt  }
0x69: {  	_ =	shalt  }
0x6a: {  	_ =	shalt  }
0x6b: {  	_ =	shalt  }
0x6c: {  	_ =	shalt  }
0x6d: {  	_ =	shalt  }
0x6e: {  	_ =	shalt  }
0x6f: {  	_ =	shalt  }
0x70: {  	_ =	shalt  }
0x71: {  	_ =	shalt  }
0x72: {  	_ =	shalt  }
0x73: {  	_ =	shalt  }
0x74: {  	_ =	shalt  }
0x75: {  	_ =	shalt  }
0x76: {  	_ =	shalt  }
0x77: {  	_ =	shalt  }
0x78: {  	_ =	shalt  }
0x79: {  	_ =	shalt  }
0x7a: {  	_ =	shalt  }
0x7b: {  	_ =	shalt  }
0x7c: {  	_ =	shalt  }
0x7d: {  	_ =	shalt  }
0x7e: {  	_ =	shalt  }
0x7f: {  	_ =	shalt  }
0x80: {  	_ =	shalt  }
0x81: {  	_ =	shalt  }
0x82: {  	_ =	shalt  }
0x83: {  	_ =	shalt  }
0x84: {  	_ =	shalt  }
0x85: {  	_ =	shalt  }
0x86: {  	_ =	shalt  }
0x87: {  	_ =	shalt  }
.Lfunc_end0:
.L_simem_size_0:
called_computation.2_lowered:
.L_overlay_start_0:
0x88: {  	s2 =	sld [smem:$0x3FD9]  }
0x89: {  	s3 =	sld [smem:$0x3FFE];
	_ =	sdelay $0x1  }
0x8a: {  	s1 =	srdreg.scid  }
0x8b: {  	s0 =	sand.u32 $0x1, s1  }
0x8c: {  	s16 =	sshll.u32 s0, $0xA;
	s2 =	sadd.s32 s3, s2  }
0x8d: {  	s2 =	sadd.s32 s2, s16  }
0x8e: {  	[smem:$0x3FC0] =	sst s2  }
0x8f: {  	_ = 	snop  }
0x90: {  	(tm) =	ssettm $0x1  }
0x91: {  	s17 =	sld [smem:$0x3FFB];
	_ =	sdelay $0x3  }
0x92: {  	_ =	strace s17  }
0x93: {  	s2 =	sld [smem:$0x3FFC];
	_ =	sdelay $0x3  }
0x94: {  	_ =	strace s2  }
0x95: {  	s2 =	sld [smem:$0x3FFD];
	_ =	sdelay $0x3  }
0x96: {  	_ =	strace s2  }
0x97: {  	_ =	strace $0x8FFFFFFF  }
0x98: {  	s18 =	sld [smem:$0x3FDB];
	_ =	sdelay $0x1  }
0x99: {  	s19 =	simm.s32 $_scs_section_size  }
0x9a: {  	s4 =	simm.s32 $_size__tile_overlayer_lowered;
	s5 =	simm.s32 $_tile_overlayer_lowered  }
0x9b: {  	s22 =	simm.s32 $0x1BFF;
	s21 =	sshll.u32 s5, $0x1;
	s2 =	sadd.s32 s19, s18  }
0x9c: {  	s6 =	simm.s32 $0x0;
	s20 =	sshll.u32 s4, $0x1;
	s4 =	sadd.s32 s21, s2  }
0x9d: {  	[timem:s6], [sflag:s22] =	dma.local [hbm:s4], s20  }
0x9e: {  	_ =	swait.ge [sflag:s22], s20  }
0x9f: {  	s3 =	ssub.s32 $0x0, s20;
	[sflag:s22] =	ssyncset.done $0x0  }
0xa0: {  	[sflag:s22] =	ssyncadd.s32 s3;
	_ =	sdelay $0x1  }
0xa1: {  	s23 =	simm.s32 $0x1B8B  }
0xa2: {  	_ =	swait.ge [sflag:s23], $0x1  }
0xa3: {  	[sflag:s23] =	ssyncset.done $0x0  }
0xa4: {  	s25 =	simm.s32 $0x1B8E;
	s24 =	sld [smem:$0x3FFE];
	[sflag:s23] =	ssyncadd.s32 $0xFFFFFFFF  }
0xa5: {  	s26 =	simm.s32 $execute0_lowered;
	[smem:$0x3FD2] =	sst s25  }
0xa6: {  	s4 =	sshll.u32 s26, $0x1;
	_ =	strace $0x8000004C;
	[dreg:$0x1] =	wrdreg $0xFFFFFFFF  }
0xa7: {  	s28 =	simm.s32 $_size_execute0_lowered;
	s2 =	sadd.s32 s2, s4;
	[dreg:$0x0] =	wrdreg $0x0  }
0xa8: {  	s4 =	sshll.u32 s28, $0x1;
	[dreg:$0x2] =	wrdreg s2  }
0xa9: {  	[dreg:$0x3] =	wrdreg s4  }
0xaa: {  	[dreg:$0x4] =	wrdreg $0xC0  }
0xab: {  	_ =	task [dreg:s6], $0x5FFFF  }
0xac: {  	[dreg:$0x1] =	wrdreg $0xFFFFFFFF  }
0xad: {  	[dreg:$0x0] =	wrdreg $0x60  }
0xae: {  	[dreg:$0x2] =	wrdreg s24  }
0xaf: {  	[dreg:$0x3] =	wrdreg $0x41000  }
0xb0: {  	[dreg:$0x4] =	wrdreg $0x9  }
0xb1: {  	_ =	task.clear_ibuf [dreg:s6], $0x5FFFF;
	_ =	strace $0x9000004C  }
0xb2: {  	s29 =	simm.s32 $0x9;
	_ =	strace $0x8000004E  }
0xb3: {  	_ =	swait.ge [sflag:s29], $0x1  }
0xb4: {  	[sflag:s29] =	ssyncadd.s32 $0xFFFFFFFF  }
0xb5: {  	_ =	strace $0x9000004E  }
0xb6: {  	_ =	sfence  }
0xb7: {  	s30 =	sld [smem:$0x0];
	_ =	sdelay $0x2  }
0xb8: {  	s31 =	sshll.u32 s1, $0xD;
	s1 =	sshrl.u32 s1, $0x2  }
0xb9: {  	s3 =	sand.u32 $0x4000, s31;
	s1 =	sadd.s32 s1, s30  }
0xba: {  	s0 =	sor.u32 s3, s0;
	s1 =	sshll.u32 s1, $0x11  }
0xbb: {  	s0 =	sor.u32 s1, s0  }
0xbc: {  	s0 =	sadd.s32 $0x8F2B, s0  }
0xbd: {  	[sflag:s0] =	ssyncadd.remote.s32 $0x1  }
0xbe: {  	_ =	sfence.sel $0xFFFF  }
0xbf: {  	[dreg:$0x0] =	wrdreg $0xFFFFFFFF;
	(pc) =	sbr.abs _section_cstart, $3  }
0xc0: {  	[dreg:$0x1] =	wrdreg $0xFFFFFFFF  }
0xc1: {  	_ =	task.clear_ibuf [dreg:s6], $0x2FFFF;
	_ =	strace $0x9FFFFFFF  }
0xc2: {  	(tm) =	ssettm $0x7FFFFFFF  }
0xc3: {  	_ =	shalt  }
tec
execute0_lowered:
.L_overlay_start_1:
0x0: {  	(tag) =	ssettag $0x1  }
0x1: {  	s8 =	rddreg [dreg:$0x0]  }
0x2: {  	s1 =	rddreg [dreg:$0x1]  }
0x3: {  	s0 =	rddreg [dreg:$0x2]  }
0x4: {  	s2 =	simm.s32 $0x0;
	s7 =	srdreg.scid;
	s3 =	stileid.u32  }
0x5: {  	s23 =	simm.s32 $0x1;
	s24 =	simm.s32 $0x0;
	[smem:$0x7FF] =	sst s2  }
0x6: {  	s4 =	sadd.s32 $0x66800, s8;
	s5 =	sadd.s32 $0x5C800, s8;
	s6 =	sadd.s32 $0x2000, s8  }
0x7: {  	s9 =	sand.u32 $0x1, s7;
	s7 =	sadd.s32 $0xC000, s8;
	s11 =	smul.u32 $0x50000, s3  }
0x8: {  	s18 =	sadd.s32 $0x8DA00, s8;
	s12 =	smul.u32 $0x14000, s3;
	_ =	strace $0x8000004D  }
0x9: {  	s10 =	ssub.s32 $0x2, s9;
	s30 =	sshll.u32 s9, $0x4;
	s20 =	smul.u32 $0x140000, s9  }
0xa: {  	s29 =	sshrl.u32 s10, $0x1;
	s31 =	sshrl.u32 s11, $0x2;
	s13 =	sor.u32 s3, s30  }
0xb: {  	s14 =	sadd.s32 $0x4000, s12;
	s16 =	sadd.s32 $0x8000, s12;
	s17 =	sadd.s32 $0xC000, s12  }
0xc: {  	s21 =	sadd.s32 $0x10000, s12;
	s19 =	ssub.s32 s10, s29;
	s8 =	sadd.s32 s31, s1  }
0xd: {  	s9 =	sadd.s32 s14, s1;
	s10 =	sadd.s32 s16, s1;
	s11 =	sadd.s32 s17, s1  }
0xe: {  	s15 =	sadd.s32 s12, s20;
	s14 =	sadd.s32 s20, s14;
	s12 =	sadd.s32 s21, s1  }
0xf: {  	s13 =	smul.u32 $0x2800, s13;
	s16 =	sadd.s32 s20, s16;
	s17 =	sadd.s32 s20, s17  }
0x10: {  	s20 =	sadd.s32 s20, s21;
	s21 =	simm.s32 $0x2;
	s15 =	sshrl.u32 s15, $0x3  }
0x11: {  	s22 =	sshrl.u32 s14, $0x3;
	s16 =	sshrl.u32 s16, $0x3;
	s17 =	sshrl.u32 s17, $0x3  }
0x12: {  	s20 =	sshrl.u32 s20, $0x3;
	s19 =	smax.u32 s19, $0x1;
	s14 =	sadd.s32 s18, s15  }
0x13: {  	s15 =	sadd.s32 s18, s22;
	s16 =	sadd.s32 s18, s16;
	s17 =	sadd.s32 s18, s17  }
0x14: {  	s18 =	sadd.s32 s18, s20;
	s20 =	simm.s32 $0x100;
	s22 =	simm.s32 $0x80  }
.LBB2_1:
0x15: {  	[tilespmem:s20], [sflag:$0x2] =	stream.linear.gather [hbm4b:s7+s2], $0x4000, $0x38;
	[tilespmem:$0x18100] =	vst v63  }
0x16: {  	_ =	swait.ge [sflag:s21], $0x4000  }
0x17: {  	[sflag:s21] =	ssyncset.done $0x0  }
0x18: {  	[sflag:s21] =	ssyncadd.s32 $0xFFFFC000  }
0x19: {  	[spmem:s8] =	stream.linear.scatter [tilespmem:s20], [sflag:$0x2], $0x4000, $0x38;
	[tilespmem:$0x18100] =	vst v63  }
0x1a: {  	_ =	swait.ge [sflag:s21], $0x4000  }
0x1b: {  	[sflag:s21] =	ssyncset.done $0x0  }
0x1c: {  	[sflag:s21] =	ssyncadd.s32 $0xFFFFC000  }
0x1d: {  	[spmem:s9] =	stream.linear.scatter [tilespmem:s20], [sflag:$0x2], $0x4000, $0x38;
	[tilespmem:$0x18100] =	vst v63  }
0x1e: {  	_ =	swait.ge [sflag:s21], $0x4000  }
0x1f: {  	[sflag:s21] =	ssyncset.done $0x0  }
0x20: {  	[sflag:s21] =	ssyncadd.s32 $0xFFFFC000  }
0x21: {  	[spmem:s10] =	stream.linear.scatter [tilespmem:s20], [sflag:$0x2], $0x4000, $0x38;
	[tilespmem:$0x18100] =	vst v63  }
0x22: {  	_ =	swait.ge [sflag:s21], $0x4000  }
0x23: {  	[sflag:s21] =	ssyncset.done $0x0  }
0x24: {  	[sflag:s21] =	ssyncadd.s32 $0xFFFFC000  }
0x25: {  	[spmem:s11] =	stream.linear.scatter [tilespmem:s20], [sflag:$0x2], $0x4000, $0x38;
	[tilespmem:$0x18100] =	vst v63  }
0x26: {  	_ =	swait.ge [sflag:s21], $0x4000  }
0x27: {  	[sflag:s21] =	ssyncset.done $0x0  }
0x28: {  	s25 =	sand.u32 $0x3C00, s2;
	[sflag:s21] =	ssyncadd.s32 $0xFFFFC000  }
0x29: {  	[spmem:s12] =	stream.linear.scatter [tilespmem:s20], [sflag:$0x2], $0x4000, $0x38;
	[tilespmem:$0x18100] =	vst v63  }
0x2a: {  	s26 =	sand.u32 $0x380, s2;
	s25 =	sadd.s32 s13, s25;
	_ =	swait.ge [sflag:s21], $0x4000  }
0x2b: {  	s25 =	sor.u32 s26, s25;
	[sflag:s21] =	ssyncset.done $0x0  }
0x2c: {  	s25 =	sshrl.u32 s25, $0x3;
	[sflag:s21] =	ssyncadd.s32 $0xFFFFC000  }
0x2d: {  	s29 =	sadd.s32 s5, s25;
	[bflag:$0x0] =	sbarrier.arrive $0xFFFF  }
0x2e: {  	[tilespmem:s2], [sflag:$0x2] =	stream.linear.gather [hbm4b:s29+s2], $0x80, $0x38;
	[tilespmem:$0x18100] =	vst v63  }
0x2f: {  	_ =	swait.ge [sflag:s21], $0x80  }
0x30: {  	[sflag:s21] =	ssyncset.done $0x0  }
0x31: {  	s25 =	sadd.s32 s6, s25;
	[sflag:s21] =	ssyncadd.s32 $0xFFFFFF80  }
0x32: {  	[tilespmem:s22], [sflag:$0x2] =	stream.linear.gather [hbm4b:s25+s2], $0x80, $0x38;
	[tilespmem:$0x18100] =	vst v63  }
0x33: {  	_ =	swait.ge [sflag:s21], $0x80  }
0x34: {  	[sflag:s21] =	ssyncset.done $0x0  }
0x35: {  	[sflag:s21] =	ssyncadd.s32 $0xFFFFFF80  }
0x36: {  	[tilespmem:s20], [sflag:$0x1] =	stream.indirect.gather [hbm4b:s4+s22], $0x80, s2, s22, $0xb8;
	[tilespmem:$0x18100] =	vst v63  }
0x37: {  	_ =	swait.ge [sflag:s23], $0x4000  }
0x38: {  	s30 =	simm.s32 $0x80;
	[sflag:s23] =	ssyncset.done $0x0  }
0x39: {  	s31 =	sand.u32 $0x3C00, s30;
	[sflag:s23] =	ssyncadd.s32 $0xFFFFC000  }
0x3a: {  	[spmem:s1] =	stream.indirect.scatter.add.f32 [tilespmem:s20], [sflag:$0x2], $0x80, s22, s22, $0xb8;
	[tilespmem:$0x18100] =	vst v63  }
0x3b: {  	s28 =	sand.u32 $0x380, s30;
	s26 =	sadd.s32 s13, s31;
	_ =	swait.ge [sflag:s21], $0x4000  }
0x3c: {  	s26 =	sor.u32 s28, s26;
	s25 =	simm.s32 $0x100;
	[sflag:s21] =	ssyncset.done $0x0  }
.LBB2_2:
0x3d: {  	s26 =	sshrl.u32 s26, $0x3  }
0x3e: {  	[sflag:s21] =	ssyncadd.s32 $0xFFFFC000;
	s28 =	smov.u32 s25;
	s29 =	sadd.s32 $0x80, s25  }
0x3f: {  	p0 =	sne.s32 s25, $0x2700;
	s25 =	sadd.s32 s5, s26  }
0x40: {  	[tilespmem:s2], [sflag:$0x2] =	stream.linear.gather [hbm4b:s25+s2], $0x80, $0x38;
	[tilespmem:$0x18100] =	vst v63  }
0x41: {  	_ =	swait.ge [sflag:s21], $0x80  }
0x42: {  	[sflag:s21] =	ssyncset.done $0x0  }
0x43: {  	s25 =	sadd.s32 s6, s26;
	[sflag:s21] =	ssyncadd.s32 $0xFFFFFF80  }
0x44: {  	[tilespmem:s22], [sflag:$0x2] =	stream.linear.gather [hbm4b:s25+s2], $0x80, $0x38;
	[tilespmem:$0x18100] =	vst v63  }
0x45: {  	_ =	swait.ge [sflag:s21], $0x80  }
0x46: {  	[sflag:s21] =	ssyncset.done $0x0  }
0x47: {  	[sflag:s21] =	ssyncadd.s32 $0xFFFFFF80  }
0x48: {  	[tilespmem:s20], [sflag:$0x1] =	stream.indirect.gather [hbm4b:s4+s22], $0x80, s2, s22, $0xb8;
	[tilespmem:$0x18100] =	vst v63  }
0x49: {  	_ =	swait.ge [sflag:s23], $0x4000  }
.Ltmp0:
0x4a: {  	[sflag:s23] =	ssyncset.done $0x0;
	(pc) =	sbr.rel @p0 .LBB2_2-.Ltmp0, $4  }
0x4b: {  	s25 =	sand.u32 $0x3C00, s28;
	[sflag:s23] =	ssyncadd.s32 $0xFFFFC000  }
0x4c: {  	[spmem:s1] =	stream.indirect.scatter.add.f32 [tilespmem:s20], [sflag:$0x2], $0x80, s22, s22, $0xb8;
	[tilespmem:$0x18100] =	vst v63  }
0x4d: {  	s26 =	sand.u32 $0x380, s28;
	s25 =	sadd.s32 s13, s25;
	_ =	swait.ge [sflag:s21], $0x4000  }
0x4e: {  	s26 =	sor.u32 s26, s25;
	s25 =	smov.u32 s29;
	[sflag:s21] =	ssyncset.done $0x0  }
0x4f: {  	s25 =	sshrl.u32 s26, $0x3  }
0x50: {  	[sflag:s21] =	ssyncadd.s32 $0xFFFFC000;
	s26 =	sadd.s32 s5, s25  }
0x51: {  	[tilespmem:s2], [sflag:$0x2] =	stream.linear.gather [hbm4b:s26+s2], $0x80, $0x38;
	[tilespmem:$0x18100] =	vst v63  }
0x52: {  	_ =	swait.ge [sflag:s21], $0x80  }
0x53: {  	[sflag:s21] =	ssyncset.done $0x0  }
0x54: {  	s25 =	sadd.s32 s6, s25;
	[sflag:s21] =	ssyncadd.s32 $0xFFFFFF80  }
0x55: {  	[tilespmem:s22], [sflag:$0x2] =	stream.linear.gather [hbm4b:s25+s2], $0x80, $0x38;
	[tilespmem:$0x18100] =	vst v63  }
0x56: {  	_ =	swait.ge [sflag:s21], $0x80  }
0x57: {  	[sflag:s21] =	ssyncset.done $0x0  }
0x58: {  	[sflag:s21] =	ssyncadd.s32 $0xFFFFFF80  }
0x59: {  	[tilespmem:s20], [sflag:$0x1] =	stream.indirect.gather [hbm4b:s4+s22], $0x80, s2, s22, $0xb8;
	[tilespmem:$0x18100] =	vst v63  }
0x5a: {  	_ =	swait.ge [sflag:s23], $0x4000  }
0x5b: {  	[sflag:s23] =	ssyncset.done $0x0  }
0x5c: {  	[sflag:s23] =	ssyncadd.s32 $0xFFFFC000  }
0x5d: {  	[spmem:s1] =	stream.indirect.scatter.add.f32 [tilespmem:s20], [sflag:$0x2], $0x80, s22, s22, $0xb8;
	[tilespmem:$0x18100] =	vst v63  }
0x5e: {  	_ =	swait.ge [sflag:s21], $0x4000  }
0x5f: {  	[sflag:s21] =	ssyncset.done $0x0  }
0x60: {  	[sflag:s21] =	ssyncadd.s32 $0xFFFFC000  }
0x61: {  	[bflag:$0x0] =	sbarrier.arrive $0xFFFF  }
0x62: {  	[tilespmem:s20], [sflag:$0x2] =	stream.linear.gather [spmem:s8], $0x4000, $0x38;
	[tilespmem:$0x18100] =	vst v63  }
0x63: {  	_ =	swait.ge [sflag:s21], $0x4000  }
0x64: {  	[sflag:s21] =	ssyncset.done $0x0  }
0x65: {  	[sflag:s21] =	ssyncadd.s32 $0xFFFFC000  }
0x66: {  	[hbm4b:s14+s2] =	stream.linear.scatter [tilespmem:s20], [sflag:$0x2], $0x4000, $0x38;
	[tilespmem:$0x18100] =	vst v63  }
0x67: {  	_ =	swait.ge [sflag:s21], $0x4000  }
0x68: {  	[sflag:s21] =	ssyncset.done $0x0  }
0x69: {  	[sflag:s21] =	ssyncadd.s32 $0xFFFFC000  }
0x6a: {  	[tilespmem:s20], [sflag:$0x2] =	stream.linear.gather [spmem:s9], $0x4000, $0x38;
	[tilespmem:$0x18100] =	vst v63  }
0x6b: {  	_ =	swait.ge [sflag:s21], $0x4000  }
0x6c: {  	[sflag:s21] =	ssyncset.done $0x0  }
0x6d: {  	[sflag:s21] =	ssyncadd.s32 $0xFFFFC000  }
0x6e: {  	[hbm4b:s15+s2] =	stream.linear.scatter [tilespmem:s20], [sflag:$0x2], $0x4000, $0x38;
	[tilespmem:$0x18100] =	vst v63  }
0x6f: {  	_ =	swait.ge [sflag:s21], $0x4000  }
0x70: {  	[sflag:s21] =	ssyncset.done $0x0  }
0x71: {  	[sflag:s21] =	ssyncadd.s32 $0xFFFFC000  }
0x72: {  	[tilespmem:s20], [sflag:$0x2] =	stream.linear.gather [spmem:s10], $0x4000, $0x38;
	[tilespmem:$0x18100] =	vst v63  }
0x73: {  	_ =	swait.ge [sflag:s21], $0x4000  }
0x74: {  	[sflag:s21] =	ssyncset.done $0x0  }
0x75: {  	[sflag:s21] =	ssyncadd.s32 $0xFFFFC000  }
0x76: {  	[hbm4b:s16+s2] =	stream.linear.scatter [tilespmem:s20], [sflag:$0x2], $0x4000, $0x38;
	[tilespmem:$0x18100] =	vst v63  }
0x77: {  	_ =	swait.ge [sflag:s21], $0x4000  }
0x78: {  	[sflag:s21] =	ssyncset.done $0x0  }
0x79: {  	[sflag:s21] =	ssyncadd.s32 $0xFFFFC000  }
0x7a: {  	[tilespmem:s20], [sflag:$0x2] =	stream.linear.gather [spmem:s11], $0x4000, $0x38;
	[tilespmem:$0x18100] =	vst v63  }
0x7b: {  	_ =	swait.ge [sflag:s21], $0x4000  }
0x7c: {  	[sflag:s21] =	ssyncset.done $0x0  }
0x7d: {  	[sflag:s21] =	ssyncadd.s32 $0xFFFFC000  }
0x7e: {  	[hbm4b:s17+s2] =	stream.linear.scatter [tilespmem:s20], [sflag:$0x2], $0x4000, $0x38;
	[tilespmem:$0x18100] =	vst v63  }
0x7f: {  	_ =	swait.ge [sflag:s21], $0x4000  }
0x80: {  	[sflag:s21] =	ssyncset.done $0x0  }
0x81: {  	[sflag:s21] =	ssyncadd.s32 $0xFFFFC000  }
0x82: {  	[tilespmem:s20], [sflag:$0x2] =	stream.linear.gather [spmem:s12], $0x4000, $0x38;
	[tilespmem:$0x18100] =	vst v63  }
0x83: {  	s24 =	sadd.s32 $0x1, s24;
	_ =	swait.ge [sflag:s21], $0x4000  }
0x84: {  	p0 =	sne.s32 s24, s19;
	[sflag:s21] =	ssyncset.done $0x0  }
.Ltmp1:
0x85: {  	[sflag:s21] =	ssyncadd.s32 $0xFFFFC000;
	(pc) =	sbr.rel @p0 .LBB2_1-.Ltmp1, $4  }
0x86: {  	[hbm4b:s18+s2] =	stream.linear.scatter [tilespmem:s20], [sflag:$0x2], $0x4000, $0x38;
	[tilespmem:$0x18100] =	vst v63  }
0x87: {  	_ =	swait.ge [sflag:s21], $0x4000  }
0x88: {  	[sflag:s21] =	ssyncset.done $0x0  }
0x89: {  	[sflag:s21] =	ssyncadd.s32 $0xFFFFC000  }
0x8a: {  	_ =	sfence.sel $0x180000  }
0x8b: {  	[bflag:$0x0] =	sbarrier.arrive $0xFFFF  }
0x8c: {  	p0 =	sne.s32 s3, $0x0;
	_ =	strace $0x9000004D  }
0x8d: {  	s0 =	sadd.s32 @!p0 $0x100000, s0;
	[bflag:$0x2] =	sbarrier.arrive $0xFFFF  }
0x8e: {  	[sflag:s0] =	ssyncadd.tile.s32 @!p0 $0x1;
	_ =	shalt  }
.Lfunc_end2:
_tile_overlayer_lowered:
.L_overlay_start_2:
0x8f: {  	(tag) =	ssettag $0x2  }
0x90: {  	s0 =	rddreg [dreg:$0x0];
	s2 =	stileid.u32  }
0x91: {  	s1 =	rddreg [dreg:$0x1];
	p0 =	sne.s32 s2, $0x0  }
0x92: {  	s3 =	rddreg [dreg:$0x2];
	[bflag:$0x3] =	sbarrier.arrive $0xFFFF;
	s2 =	simm.s32 @!p0 $0x1C02  }
0x93: {  	[timem:s3], [sflag:s2] =	dma.local @!p0 [hbm:s0], s1  }
0x94: {  	s0 =	simm.s32 @!p0 $0x2  }
0x95: {  	_ =	swait.ge @!p0 [sflag:s0], s1  }
0x96: {  	s1 =	ssub.s32 @!p0 $0x0, s1;
	[sflag:s0] =	ssyncset.done @!p0 $0x0  }
0x97: {  	[sflag:s0] =	ssyncadd.s32 @!p0 s1  }
0x98: {  	[bflag:$0x3] =	sbarrier.arrive $0xFFFF  }
0x99: {  	_ =	shalt  }

// kernel: kernel.8.cloned.1.call-start
scs
__scs_entry_jumppad:
0x0: {  	(pc) =	sbr.rel $0x88, $3  }
0x1: {  	(tag) =	ssettag $0x0;
	lr =	simm.s32 $0x1  }
0x2: {  	[smem:$0x3F99] =	sst lr;
	_ =	strace $0xD0000000  }
0x3: {  	_ = 	snop  }
0x4: {  	_ = 	snop  }
0x5: {  	_ = 	snop  }
0x6: {  	_ = 	snop  }
0x7: {  	_ = 	snop  }
__scs_overlays_trampoline_lowered:
0x8: {  	[smem:$0x3FA8] =	sst s0  }
0x9: {  	[smem:$0x3FA9] =	sst s1  }
0xa: {  	[smem:$0x3FAA] =	sst s2  }
0xb: {  	[smem:$0x3FAB] =	sst s3  }
0xc: {  	[smem:$0x3FAC] =	sst s4  }
0xd: {  	[smem:$0x3FAD] =	sst s5  }
0xe: {  	[smem:$0x3FAE] =	sst s6  }
0xf: {  	[smem:$0x3FAF] =	sst s7  }
0x10: {  	[smem:$0x3FB0] =	sst s8  }
0x11: {  	[smem:$0x3FB1] =	sst s9;
	s0 =	simm.s32 @!p0 $0x0  }
0x12: {  	s1 =	sld [smem:$0x3F97];
	s0 =	simm.s32 @p0 $0x1  }
0x13: {  	[smem:$0x3FB2] =	sst s0;
	s0 =	simm.s32 @!p1 $0x0  }
0x14: {  	s2 =	sld [smem:$0x3F96];
	s0 =	simm.s32 @p1 $0x1  }
0x15: {  	[smem:$0x3FB3] =	sst s0;
	s0 =	simm.s32 @!p2 $0x0  }
0x16: {  	s3 =	sld [smem:$0x3FDB];
	s0 =	simm.s32 @p2 $0x1  }
0x17: {  	s4 =	simm.s32 $0x1BF5;
	[smem:$0x3FB5] =	sst s0  }
0x18: {  	s0 =	sld [smem:$0x3F98];
	_ =	swait.ge [sflag:s4], $0x0  }
0x19: {  	s7 =	sld [smem:$0x3F99]  }
0x1a: {  	s8 =	sadd.s32 $0xFFFFE003, lr  }
0x1b: {  	s9 =	sadd.s32 $0xFFFFFEF7, lr;
	s5 =	simm.s32 $0xFFFFFFFF;
	p2 =	slt.u32 s8, $0xFFFFF086  }
0x1c: {  	p1 =	slt.u32 s9, $0xF7A;
	s5 =	simm.s32 @!p2 $0x0  }
0x1d: {  	s5 =	simm.s32 @p1 $0x1;
	p0 =	seq.s32 s7, s2  }
0x1e: {  	s7 =	smul.u32 @!p0 $0xF7A, s2;
	p2 =	seq.s32 @!p0 s5, $0x0  }
0x1f: {  	s9 =	smul.u32 $0xF7A, s1;
	s8 =	simm.s32 @!p0 $0x1BF5;
	p2 =	por !p2, p0  }
0x20: {  	[sflag:s8] =	ssyncset.s32 @!p0 $0xFFFFF086;
	s6 =	sadd.s32 @!p0 s3, s7;
	s7 =	simm.s32 @!p0 $0x108  }
0x21: {  	s3 =	sadd.s32 s3, s9;
	s6 =	sadd.s32 @!p0 $0x88, s6;
	s7 =	simm.s32 @p2 $0x1082  }
0x22: {  	[simem:s7], [sflag:s8] =	dma.local @!p0 [hbm:s6], $0xF7A  }
0x23: {  	s9 =	sor.u32 $0xD0000000, s2;
	s6 =	simm.s32 $0x108;
	_ =	swait.ge @!p0 [sflag:s8], $0x0  }
0x24: {  	s3 =	sadd.s32 $0x88, s3;
	s6 =	simm.s32 @!p1 $0x1082;
	[sflag:s4] =	ssyncset.s32 $0xFFFFF086  }
0x25: {  	[simem:s6], [sflag:s4] =	dma.local [hbm:s3], $0xF7A  }
0x26: {  	[smem:$0x3F99] =	sst s1;
	(tag) =	ssettag s2;
	_ =	strace s9  }
0x27: {  	s1 =	sld [smem:$0x3FA9]  }
0x28: {  	s2 =	sld [smem:$0x3FAA]  }
0x29: {  	s4 =	sld [smem:$0x3FAC]  }
0x2a: {  	p0 =	seq.s32 s5, $0x0;
	s5 =	sld [smem:$0x3FAD]  }
0x2b: {  	s6 =	sld [smem:$0x3FAE]  }
0x2c: {  	s7 =	sld [smem:$0x3FAF]  }
0x2d: {  	s3 =	simm.s32 $0x108;
	s8 =	sld [smem:$0x3FB0]  }
0x2e: {  	s3 =	simm.s32 @!p0 $0x1082;
	s9 =	sld [smem:$0x3FB1]  }
0x2f: {  	lr =	sadd.s32 s0, s3;
	s0 =	sld [smem:$0x3FA8]  }
0x30: {  	s3 =	sld [smem:$0x3FAB]  }
0x31: {  	[smem:$0x3FB4] =	sst s10  }
0x32: {  	s10 =	sld [smem:$0x3FB2];
	_ =	sdelay $0x3  }
0x33: {  	p0 =	seq.s32 s10, $0x1;
	s10 =	sld [smem:$0x3FB4];
	_ =	sdelay $0x3  }
0x34: {  	[smem:$0x3FB4] =	sst s10  }
0x35: {  	s10 =	sld [smem:$0x3FB3];
	_ =	sdelay $0x3  }
0x36: {  	p1 =	seq.s32 s10, $0x1;
	s10 =	sld [smem:$0x3FB4];
	_ =	sdelay $0x3  }
0x37: {  	[smem:$0x3FB4] =	sst s10  }
0x38: {  	s10 =	sld [smem:$0x3FB5]  }
0x39: {  	_ = 	snop;
	(pc) =	sbr.ind lr, $3  }
0x3a: {  	_ = 	snop  }
0x3b: {  	_ = 	snop  }
0x3c: {  	p2 =	seq.s32 s10, $0x1;
	s10 =	sld [smem:$0x3FB4]  }
0x3d: {  	_ =	shalt  }
0x3e: {  	_ =	shalt  }
0x3f: {  	_ =	shalt  }
0x40: {  	_ =	shalt  }
0x41: {  	_ =	shalt  }
0x42: {  	_ =	shalt  }
0x43: {  	_ =	shalt  }
0x44: {  	_ =	shalt  }
0x45: {  	_ =	shalt  }
0x46: {  	_ =	shalt  }
0x47: {  	_ =	shalt  }
0x48: {  	_ =	shalt  }
0x49: {  	_ =	shalt  }
0x4a: {  	_ =	shalt  }
0x4b: {  	_ =	shalt  }
0x4c: {  	_ =	shalt  }
0x4d: {  	_ =	shalt  }
0x4e: {  	_ =	shalt  }
0x4f: {  	_ =	shalt  }
0x50: {  	_ =	shalt  }
0x51: {  	_ =	shalt  }
0x52: {  	_ =	shalt  }
0x53: {  	_ =	shalt  }
0x54: {  	_ =	shalt  }
0x55: {  	_ =	shalt  }
0x56: {  	_ =	shalt  }
0x57: {  	_ =	shalt  }
0x58: {  	_ =	shalt  }
0x59: {  	_ =	shalt  }
0x5a: {  	_ =	shalt  }
0x5b: {  	_ =	shalt  }
0x5c: {  	_ =	shalt  }
0x5d: {  	_ =	shalt  }
0x5e: {  	_ =	shalt  }
0x5f: {  	_ =	shalt  }
0x60: {  	_ =	shalt  }
0x61: {  	_ =	shalt  }
0x62: {  	_ =	shalt  }
0x63: {  	_ =	shalt  }
0x64: {  	_ =	shalt  }
0x65: {  	_ =	shalt  }
0x66: {  	_ =	shalt  }
0x67: {  	_ =	shalt  }
0x68: {  	_ =	shalt  }
0x69: {  	_ =	shalt  }
0x6a: {  	_ =	shalt  }
0x6b: {  	_ =	shalt  }
0x6c: {  	_ =	shalt  }
0x6d: {  	_ =	shalt  }
0x6e: {  	_ =	shalt  }
0x6f: {  	_ =	shalt  }
0x70: {  	_ =	shalt  }
0x71: {  	_ =	shalt  }
0x72: {  	_ =	shalt  }
0x73: {  	_ =	shalt  }
0x74: {  	_ =	shalt  }
0x75: {  	_ =	shalt  }
0x76: {  	_ =	shalt  }
0x77: {  	_ =	shalt  }
0x78: {  	_ =	shalt  }
0x79: {  	_ =	shalt  }
0x7a: {  	_ =	shalt  }
0x7b: {  	_ =	shalt  }
0x7c: {  	_ =	shalt  }
0x7d: {  	_ =	shalt  }
0x7e: {  	_ =	shalt  }
0x7f: {  	_ =	shalt  }
0x80: {  	_ =	shalt  }
0x81: {  	_ =	shalt  }
0x82: {  	_ =	shalt  }
0x83: {  	_ =	shalt  }
0x84: {  	_ =	shalt  }
0x85: {  	_ =	shalt  }
0x86: {  	_ =	shalt  }
0x87: {  	_ =	shalt  }
.Lfunc_end0:
.L_simem_size_0:
called_computation_lowered:
.L_overlay_start_0:
0x88: {  	s2 =	sld [smem:$0x3FD9]  }
0x89: {  	s3 =	sld [smem:$0x3FFE];
	_ =	sdelay $0x1  }
0x8a: {  	s1 =	srdreg.scid  }
0x8b: {  	s0 =	sand.u32 $0x1, s1  }
0x8c: {  	s17 =	sshll.u32 s0, $0xA;
	s2 =	sadd.s32 s3, s2  }
0x8d: {  	s2 =	sadd.s32 s2, s17  }
0x8e: {  	[smem:$0x3FC0] =	sst s2  }
0x8f: {  	_ = 	snop  }
0x90: {  	s2 =	sld [smem:$0x3FD0];
	(tm) =	ssettm $0x1  }
0x91: {  	s18 =	sld [smem:$0x3FFB];
	_ =	sdelay $0x3  }
0x92: {  	_ =	strace s18  }
0x93: {  	s3 =	sld [smem:$0x3FFC];
	_ =	sdelay $0x3  }
0x94: {  	_ =	strace s3  }
0x95: {  	s3 =	sld [smem:$0x3FFD];
	_ =	sdelay $0x3  }
0x96: {  	_ =	strace s3  }
0x97: {  	_ =	strace $0x8FFFFFFF  }
0x98: {  	s19 =	sld [smem:$0x3FDB];
	_ =	sdelay $0x1  }
0x99: {  	s4 =	simm.s32 $_scs_section_size  }
0x9a: {  	s5 =	simm.s32 $_size__tile_overlayer_lowered;
	s6 =	simm.s32 $_tile_overlayer_lowered  }
0x9b: {  	s22 =	simm.s32 $0x1BFF;
	s21 =	sshll.u32 s6, $0x1;
	s3 =	sadd.s32 s4, s19  }
0x9c: {  	s7 =	simm.s32 $0x0;
	s20 =	sshll.u32 s5, $0x1;
	s5 =	sadd.s32 s21, s3  }
0x9d: {  	[timem:s7], [sflag:s22] =	dma.local [hbm:s5], s20  }
0x9e: {  	_ =	swait.ge [sflag:s22], s20  }
0x9f: {  	s4 =	ssub.s32 $0x0, s20;
	[sflag:s22] =	ssyncset.done $0x0  }
0xa0: {  	[sflag:s22] =	ssyncadd.s32 s4;
	_ =	sdelay $0x1  }
0xa1: {  	s23 =	simm.s32 $0x1B8B  }
0xa2: {  	_ =	swait.ge [sflag:s23], $0x1  }
0xa3: {  	[sflag:s23] =	ssyncset.done $0x0  }
0xa4: {  	s25 =	simm.s32 $0x1B8E;
	s24 =	sld [smem:$0x3FFE];
	[sflag:s23] =	ssyncadd.s32 $0xFFFFFFFF  }
0xa5: {  	s26 =	simm.s32 $execute0_lowered;
	[smem:$0x3FD2] =	sst s25  }
0xa6: {  	s5 =	sshll.u32 s26, $0x1;
	_ =	strace $0x80000046;
	[dreg:$0x1] =	wrdreg $0xFFFFFFFF  }
0xa7: {  	s28 =	simm.s32 $_size_execute0_lowered;
	s3 =	sadd.s32 s3, s5;
	[dreg:$0x0] =	wrdreg $0x0  }
0xa8: {  	s5 =	sshll.u32 s28, $0x1;
	[dreg:$0x2] =	wrdreg s3  }
0xa9: {  	[dreg:$0x3] =	wrdreg s5  }
0xaa: {  	[dreg:$0x4] =	wrdreg $0xC0  }
0xab: {  	_ =	task [dreg:s7], $0x5FFFF  }
0xac: {  	[dreg:$0x1] =	wrdreg $0xFFFFFFFF  }
0xad: {  	[dreg:$0x0] =	wrdreg $0x60  }
0xae: {  	[dreg:$0x2] =	wrdreg s24  }
0xaf: {  	[dreg:$0x3] =	wrdreg s2  }
0xb0: {  	[dreg:$0x4] =	wrdreg $0x40800  }
0xb1: {  	[dreg:$0x5] =	wrdreg $0x9  }
0xb2: {  	_ =	task.clear_ibuf [dreg:s7], $0x6FFFF;
	_ =	strace $0x90000046  }
0xb3: {  	s29 =	simm.s32 $0x9;
	_ =	strace $0x80000048  }
0xb4: {  	_ =	swait.ge [sflag:s29], $0x1  }
0xb5: {  	[sflag:s29] =	ssyncadd.s32 $0xFFFFFFFF  }
0xb6: {  	_ =	strace $0x90000048  }
0xb7: {  	_ =	sfence  }
0xb8: {  	s30 =	sld [smem:$0x0];
	_ =	sdelay $0x2  }
0xb9: {  	s31 =	sshll.u32 s1, $0xD;
	s1 =	sshrl.u32 s1, $0x2  }
0xba: {  	s3 =	sand.u32 $0x4000, s31;
	s1 =	sadd.s32 s1, s30  }
0xbb: {  	s0 =	sor.u32 s3, s0;
	s1 =	sshll.u32 s1, $0x11  }
0xbc: {  	s0 =	sor.u32 s1, s0  }
0xbd: {  	s0 =	sadd.s32 $0x8F2B, s0  }
0xbe: {  	[sflag:s0] =	ssyncadd.remote.s32 $0x1  }
0xbf: {  	_ =	sfence.sel $0xFFFF  }
0xc0: {  	[dreg:$0x0] =	wrdreg $0xFFFFFFFF;
	(pc) =	sbr.abs _section_cstart, $3  }
0xc1: {  	[dreg:$0x1] =	wrdreg $0xFFFFFFFF  }
0xc2: {  	_ =	task.clear_ibuf [dreg:s7], $0x2FFFF;
	_ =	strace $0x9FFFFFFF  }
0xc3: {  	(tm) =	ssettm $0x7FFFFFFF  }
tec
execute0_lowered:
.L_overlay_start_1:
0x0: {  	(tag) =	ssettag $0x1  }
0x1: {  	s7 =	rddreg [dreg:$0x0]  }
0x2: {  	s1 =	rddreg [dreg:$0x1]  }
0x3: {  	s2 =	rddreg [dreg:$0x2]  }
0x4: {  	s0 =	rddreg [dreg:$0x3]  }
0x5: {  	s4 =	simm.s32 $0x0;
	s5 =	srdreg.scid;
	s3 =	stileid.u32  }
0x6: {  	[smem:$0x7FF] =	sst s4;
	s10 =	smul.u32 $0x50000, s3  }
0x7: {  	s9 =	sand.u32 $0x1, s5;
	s5 =	sadd.s32 $0x2000, s7;
	s12 =	smul.u32 $0x14000, s3  }
0x8: {  	s6 =	sadd.s32 $0xC000, s7;
	s17 =	sadd.s32 $0xC800, s7;
	_ =	strace $0x80000047  }
0x9: {  	s8 =	ssub.s32 $0x2, s9;
	s28 =	sshll.u32 s9, $0x4;
	s19 =	smul.u32 $0x140000, s9  }
0xa: {  	s11 =	sshrl.u32 s8, $0x1;
	s29 =	sshrl.u32 s10, $0x2;
	s13 =	sadd.s32 $0x4000, s12  }
0xb: {  	s14 =	sor.u32 s3, s28;
	s15 =	sadd.s32 $0x8000, s12;
	s16 =	sadd.s32 $0xC000, s12  }
0xc: {  	s20 =	sadd.s32 $0x10000, s12;
	s18 =	ssub.s32 s8, s11;
	s7 =	sadd.s32 s29, s2  }
0xd: {  	s8 =	sadd.s32 s13, s2;
	s9 =	sadd.s32 s15, s2;
	s10 =	sadd.s32 s16, s2  }
0xe: {  	s11 =	sadd.s32 s20, s2;
	s21 =	sadd.s32 s12, s19;
	s13 =	sadd.s32 s19, s13  }
0xf: {  	s12 =	smul.u32 $0x2800, s14;
	s15 =	sadd.s32 s19, s15;
	s16 =	sadd.s32 s19, s16  }
0x10: {  	s19 =	sadd.s32 s19, s20;
	s20 =	simm.s32 $0x1;
	s30 =	sshrl.u32 s21, $0x3  }
0x11: {  	s31 =	sshrl.u32 s13, $0x3;
	s15 =	sshrl.u32 s15, $0x3;
	s16 =	sshrl.u32 s16, $0x3  }
0x12: {  	s19 =	sshrl.u32 s19, $0x3;
	s18 =	smax.u32 s18, $0x1;
	s21 =	simm.s32 $0x0  }
0x13: {  	s13 =	sadd.s32 s17, s30;
	s14 =	sadd.s32 s17, s31;
	s15 =	sadd.s32 s17, s15  }
0x14: {  	s16 =	sadd.s32 s17, s16;
	s17 =	sadd.s32 s17, s19;
	s19 =	simm.s32 $0x80  }
.LBB2_1:
0x15: {  	[tilespmem:s19], [sflag:$0x1] =	stream.linear.gather [hbm4b:s6+s4], $0x4000, $0x38;
	[tilespmem:$0x18080] =	vst v63  }
0x16: {  	_ =	swait.ge [sflag:s20], $0x4000  }
0x17: {  	[sflag:s20] =	ssyncset.done $0x0  }
0x18: {  	[sflag:s20] =	ssyncadd.s32 $0xFFFFC000  }
0x19: {  	[spmem:s7] =	stream.linear.scatter [tilespmem:s19], [sflag:$0x1], $0x4000, $0x38;
	[tilespmem:$0x18080] =	vst v63  }
0x1a: {  	_ =	swait.ge [sflag:s20], $0x4000  }
0x1b: {  	[sflag:s20] =	ssyncset.done $0x0  }
0x1c: {  	[sflag:s20] =	ssyncadd.s32 $0xFFFFC000  }
0x1d: {  	[spmem:s8] =	stream.linear.scatter [tilespmem:s19], [sflag:$0x1], $0x4000, $0x38;
	[tilespmem:$0x18080] =	vst v63  }
0x1e: {  	_ =	swait.ge [sflag:s20], $0x4000  }
0x1f: {  	[sflag:s20] =	ssyncset.done $0x0  }
0x20: {  	[sflag:s20] =	ssyncadd.s32 $0xFFFFC000  }
0x21: {  	[spmem:s9] =	stream.linear.scatter [tilespmem:s19], [sflag:$0x1], $0x4000, $0x38;
	[tilespmem:$0x18080] =	vst v63  }
0x22: {  	_ =	swait.ge [sflag:s20], $0x4000  }
0x23: {  	[sflag:s20] =	ssyncset.done $0x0  }
0x24: {  	[sflag:s20] =	ssyncadd.s32 $0xFFFFC000  }
0x25: {  	[spmem:s10] =	stream.linear.scatter [tilespmem:s19], [sflag:$0x1], $0x4000, $0x38;
	[tilespmem:$0x18080] =	vst v63  }
0x26: {  	_ =	swait.ge [sflag:s20], $0x4000  }
0x27: {  	[sflag:s20] =	ssyncset.done $0x0  }
0x28: {  	[sflag:s20] =	ssyncadd.s32 $0xFFFFC000  }
0x29: {  	[spmem:s11] =	stream.linear.scatter [tilespmem:s19], [sflag:$0x1], $0x4000, $0x38;
	[tilespmem:$0x18080] =	vst v63  }
0x2a: {  	_ =	swait.ge [sflag:s20], $0x4000  }
0x2b: {  	[sflag:s20] =	ssyncset.done $0x0  }
0x2c: {  	s22 =	sand.u32 $0x3C00, s4;
	[sflag:s20] =	ssyncadd.s32 $0xFFFFC000  }
0x2d: {  	s23 =	sand.u32 $0x380, s4;
	s22 =	sadd.s32 s12, s22;
	[bflag:$0x0] =	sbarrier.arrive $0xFFFF  }
0x2e: {  	[tilespmem:s19], [sflag:$0x1] =	stream.linear.gather [hbm4b:s1+s4], $0x4000, $0x38;
	[tilespmem:$0x18080] =	vst v63  }
0x2f: {  	s22 =	sor.u32 s23, s22;
	_ =	swait.ge [sflag:s20], $0x4000  }
0x30: {  	s22 =	sshrl.u32 s22, $0x3;
	[sflag:s20] =	ssyncset.done $0x0  }
0x31: {  	s22 =	sadd.s32 s5, s22;
	[sflag:s20] =	ssyncadd.s32 $0xFFFFC000  }
0x32: {  	[tilespmem:s4], [sflag:$0x1] =	stream.linear.gather [hbm4b:s22+s4], $0x80, $0x38;
	[tilespmem:$0x18080] =	vst v63  }
0x33: {  	_ =	swait.ge [sflag:s20], $0x80  }
0x34: {  	s30 =	simm.s32 $0x80;
	[sflag:s20] =	ssyncset.done $0x0  }
0x35: {  	s31 =	sand.u32 $0x3C00, s30;
	[sflag:s20] =	ssyncadd.s32 $0xFFFFFF80  }
0x36: {  	[spmem:s2] =	stream.indirect.scatter.add.f32 [tilespmem:s19], [sflag:$0x1], $0x80, s4, s19, $0xb8;
	[tilespmem:$0x18080] =	vst v63  }
0x37: {  	s24 =	sand.u32 $0x380, s30;
	s23 =	sadd.s32 s12, s31;
	_ =	swait.ge [sflag:s20], $0x4000  }
0x38: {  	s23 =	sor.u32 s24, s23;
	s22 =	simm.s32 $0x100;
	[sflag:s20] =	ssyncset.done $0x0  }
.LBB2_2:
0x39: {  	s23 =	sshrl.u32 s23, $0x3  }
0x3a: {  	[sflag:s20] =	ssyncadd.s32 $0xFFFFC000;
	s24 =	smov.u32 s22;
	s25 =	sadd.s32 $0x80, s22  }
0x3b: {  	p0 =	sne.s32 s22, $0x2700;
	s22 =	sadd.s32 s5, s23  }
0x3c: {  	[tilespmem:s4], [sflag:$0x1] =	stream.linear.gather [hbm4b:s22+s4], $0x80, $0x38;
	[tilespmem:$0x18080] =	vst v63  }
0x3d: {  	_ =	swait.ge [sflag:s20], $0x80  }
.Ltmp0:
0x3e: {  	[sflag:s20] =	ssyncset.done $0x0;
	(pc) =	sbr.rel @p0 .LBB2_2-.Ltmp0, $4  }
0x3f: {  	s22 =	sand.u32 $0x3C00, s24;
	[sflag:s20] =	ssyncadd.s32 $0xFFFFFF80  }
0x40: {  	[spmem:s2] =	stream.indirect.scatter.add.f32 [tilespmem:s19], [sflag:$0x1], $0x80, s4, s19, $0xb8;
	[tilespmem:$0x18080] =	vst v63  }
0x41: {  	s23 =	sand.u32 $0x380, s24;
	s22 =	sadd.s32 s12, s22;
	_ =	swait.ge [sflag:s20], $0x4000  }
0x42: {  	s23 =	sor.u32 s23, s22;
	s22 =	smov.u32 s25;
	[sflag:s20] =	ssyncset.done $0x0  }
0x43: {  	s22 =	sshrl.u32 s23, $0x3  }
0x44: {  	[sflag:s20] =	ssyncadd.s32 $0xFFFFC000;
	s22 =	sadd.s32 s5, s22  }
0x45: {  	[tilespmem:s4], [sflag:$0x1] =	stream.linear.gather [hbm4b:s22+s4], $0x80, $0x38;
	[tilespmem:$0x18080] =	vst v63  }
0x46: {  	_ =	swait.ge [sflag:s20], $0x80  }
0x47: {  	[sflag:s20] =	ssyncset.done $0x0  }
0x48: {  	[sflag:s20] =	ssyncadd.s32 $0xFFFFFF80  }
0x49: {  	[spmem:s2] =	stream.indirect.scatter.add.f32 [tilespmem:s19], [sflag:$0x1], $0x80, s4, s19, $0xb8;
	[tilespmem:$0x18080] =	vst v63  }
0x4a: {  	_ =	swait.ge [sflag:s20], $0x4000  }
0x4b: {  	[sflag:s20] =	ssyncset.done $0x0  }
0x4c: {  	[sflag:s20] =	ssyncadd.s32 $0xFFFFC000  }
0x4d: {  	[bflag:$0x0] =	sbarrier.arrive $0xFFFF  }
0x4e: {  	[tilespmem:s19], [sflag:$0x1] =	stream.linear.gather [spmem:s7], $0x4000, $0x38;
	[tilespmem:$0x18080] =	vst v63  }
0x4f: {  	_ =	swait.ge [sflag:s20], $0x4000  }
0x50: {  	[sflag:s20] =	ssyncset.done $0x0  }
0x51: {  	[sflag:s20] =	ssyncadd.s32 $0xFFFFC000  }
0x52: {  	[hbm4b:s13+s4] =	stream.linear.scatter [tilespmem:s19], [sflag:$0x1], $0x4000, $0x38;
	[tilespmem:$0x18080] =	vst v63  }
0x53: {  	_ =	swait.ge [sflag:s20], $0x4000  }
0x54: {  	[sflag:s20] =	ssyncset.done $0x0  }
0x55: {  	[sflag:s20] =	ssyncadd.s32 $0xFFFFC000  }
0x56: {  	[tilespmem:s19], [sflag:$0x1] =	stream.linear.gather [spmem:s8], $0x4000, $0x38;
	[tilespmem:$0x18080] =	vst v63  }
0x57: {  	_ =	swait.ge [sflag:s20], $0x4000  }
0x58: {  	[sflag:s20] =	ssyncset.done $0x0  }
0x59: {  	[sflag:s20] =	ssyncadd.s32 $0xFFFFC000  }
0x5a: {  	[hbm4b:s14+s4] =	stream.linear.scatter [tilespmem:s19], [sflag:$0x1], $0x4000, $0x38;
	[tilespmem:$0x18080] =	vst v63  }
0x5b: {  	_ =	swait.ge [sflag:s20], $0x4000  }
0x5c: {  	[sflag:s20] =	ssyncset.done $0x0  }
0x5d: {  	[sflag:s20] =	ssyncadd.s32 $0xFFFFC000  }
0x5e: {  	[tilespmem:s19], [sflag:$0x1] =	stream.linear.gather [spmem:s9], $0x4000, $0x38;
	[tilespmem:$0x18080] =	vst v63  }
0x5f: {  	_ =	swait.ge [sflag:s20], $0x4000  }
0x60: {  	[sflag:s20] =	ssyncset.done $0x0  }
0x61: {  	[sflag:s20] =	ssyncadd.s32 $0xFFFFC000  }
0x62: {  	[hbm4b:s15+s4] =	stream.linear.scatter [tilespmem:s19], [sflag:$0x1], $0x4000, $0x38;
	[tilespmem:$0x18080] =	vst v63  }
0x63: {  	_ =	swait.ge [sflag:s20], $0x4000  }
0x64: {  	[sflag:s20] =	ssyncset.done $0x0  }
0x65: {  	[sflag:s20] =	ssyncadd.s32 $0xFFFFC000  }
0x66: {  	[tilespmem:s19], [sflag:$0x1] =	stream.linear.gather [spmem:s10], $0x4000, $0x38;
	[tilespmem:$0x18080] =	vst v63  }
0x67: {  	_ =	swait.ge [sflag:s20], $0x4000  }
0x68: {  	[sflag:s20] =	ssyncset.done $0x0  }
0x69: {  	[sflag:s20] =	ssyncadd.s32 $0xFFFFC000  }
0x6a: {  	[hbm4b:s16+s4] =	stream.linear.scatter [tilespmem:s19], [sflag:$0x1], $0x4000, $0x38;
	[tilespmem:$0x18080] =	vst v63  }
0x6b: {  	_ =	swait.ge [sflag:s20], $0x4000  }
0x6c: {  	[sflag:s20] =	ssyncset.done $0x0  }
0x6d: {  	[sflag:s20] =	ssyncadd.s32 $0xFFFFC000  }
0x6e: {  	[tilespmem:s19], [sflag:$0x1] =	stream.linear.gather [spmem:s11], $0x4000, $0x38;
	[tilespmem:$0x18080] =	vst v63  }
0x6f: {  	s21 =	sadd.s32 $0x1, s21;
	_ =	swait.ge [sflag:s20], $0x4000  }
0x70: {  	p0 =	sne.s32 s21, s18;
	[sflag:s20] =	ssyncset.done $0x0  }
.Ltmp1:
0x71: {  	[sflag:s20] =	ssyncadd.s32 $0xFFFFC000;
	(pc) =	sbr.rel @p0 .LBB2_1-.Ltmp1, $4  }
0x72: {  	[hbm4b:s17+s4] =	stream.linear.scatter [tilespmem:s19], [sflag:$0x1], $0x4000, $0x38;
	[tilespmem:$0x18080] =	vst v63  }
0x73: {  	_ =	swait.ge [sflag:s20], $0x4000  }
0x74: {  	[sflag:s20] =	ssyncset.done $0x0  }
0x75: {  	[sflag:s20] =	ssyncadd.s32 $0xFFFFC000  }
0x76: {  	_ =	sfence.sel $0x180000  }
0x77: {  	[bflag:$0x0] =	sbarrier.arrive $0xFFFF  }
0x78: {  	p0 =	sne.s32 s3, $0x0;
	_ =	strace $0x90000047  }
0x79: {  	s0 =	sadd.s32 @!p0 $0x100000, s0;
	[bflag:$0x2] =	sbarrier.arrive $0xFFFF  }
0x7a: {  	[sflag:s0] =	ssyncadd.tile.s32 @!p0 $0x1;
	_ =	shalt  }
.Lfunc_end2:
_tile_overlayer_lowered:
.L_overlay_start_2:
0x7b: {  	(tag) =	ssettag $0x2  }
0x7c: {  	s0 =	rddreg [dreg:$0x0];
	s2 =	stileid.u32  }
0x7d: {  	s1 =	rddreg [dreg:$0x1];
	p0 =	sne.s32 s2, $0x0  }
0x7e: {  	s3 =	rddreg [dreg:$0x2];
	[bflag:$0x3] =	sbarrier.arrive $0xFFFF;
	s2 =	simm.s32 @!p0 $0x1C01  }
0x7f: {  	[timem:s3], [sflag:s2] =	dma.local @!p0 [hbm:s0], s1  }
0x80: {  	s0 =	simm.s32 @!p0 $0x1  }
0x81: {  	_ =	swait.ge @!p0 [sflag:s0], s1  }
0x82: {  	s1 =	ssub.s32 @!p0 $0x0, s1;
	[sflag:s0] =	ssyncset.done @!p0 $0x0  }
0x83: {  	[sflag:s0] =	ssyncadd.s32 @!p0 s1  }
0x84: {  	[bflag:$0x3] =	sbarrier.arrive $0xFFFF  }
0x85: {  	_ =	shalt  }

</sc_bundles>
